<compile_context>
chip_gen: v7x
topology: tpu7x:2x2x1
jax: 0.10.2.dev20260603
libtpu: 0.0.44.dev20260713+nightly
codegen_flags: <defaults>
</compile_context>

<pallas_src>
import jax
import jax.numpy as jnp
from jax import lax
from jax.experimental import pallas as pl
from jax.experimental.pallas import tpu as pltpu
from jax.experimental.pallas import tpu_sc as plsc

B = 16384
NN = 13
NC = 26
D = 32
V = 100000

NUM_CORES = 2
NUM_SUBCORES = 16
ICH = 8192
RCH = 4096
NCH = 2048
CPR = B // NCH
NKC = NN * CPR


def _body(emb_hbm, idx_hbm, xn_hbm, w_hbm, bias_hbm, out_hbm,
          plane_v, ich0_v, ich1_v, rch0_v, rch1_v, nch0_v, nch1_v,
          w_v, bias_v,
          sem_p, sem_i0, sem_i1, sem_o0, sem_o1,
          sem_x0, sem_x1, sem_n0, sem_n1):
    d = lax.axis_index("s") * NUM_CORES + lax.axis_index("c")
    ich = (ich0_v, ich1_v)
    rch = (rch0_v, rch1_v)
    nch = (nch0_v, nch1_v)
    sem_i = (sem_i0, sem_i1)
    sem_o = (sem_o0, sem_o1)
    sem_x = (sem_x0, sem_x1)
    sem_n = (sem_n0, sem_n1)

    pltpu.sync_copy(w_hbm, w_v)
    pltpu.sync_copy(bias_hbm, bias_v)
    d16 = jnp.full((16,), d, dtype=jnp.int32)

    def ich_src(f, h):
        return idx_hbm.at[pl.ds(f * B + h * ICH, ICH)]

    def xn_src(k):
        n = k // CPR
        c = k % CPR
        return xn_hbm.at[pl.ds(n * B + c * NCH, NCH)], n, c

    pltpu.async_copy(emb_hbm.at[0, d], plane_v, sem_p)
    pltpu.async_copy(ich_src(0, 0), ich[0], sem_i[0])
    src0, _, _ = xn_src(0)
    pltpu.async_copy(src0, nch[0], sem_x[0])

    def num_chunk(k, p):
        src, n, c = xn_src(k)
        wb = plsc.load_gather(w_v, [n * D + d16])
        bb = plsc.load_gather(bias_v, [n * D + d16])
        dst = out_hbm.at[n * D + d, pl.ds(c * NCH, NCH)]
        pltpu.make_async_copy(src, nch[p], sem_x[p]).wait()

        @plsc.parallel_loop(0, NCH, 16, unroll=8)
        def _(g):
            sl = pl.ds(g, 16)
            nch[p][sl] = nch[p][sl] * wb + bb

        pltpu.async_copy(nch[p], dst, sem_n[p])
        @pl.when(k >= 1)
        def _():
            pltpu.make_async_copy(nch[1 - p], dst, sem_n[1 - p]).wait()
        nsrc, _, _ = xn_src(jnp.minimum(k + 1, NKC - 1))
        pltpu.async_copy(nsrc, nch[1 - p], sem_x[1 - p])

    def cat_task(f, _):
        pltpu.make_async_copy(emb_hbm.at[f, d], plane_v, sem_p).wait()
        r = NN * D + f * D + d

        for h in range(B // ICH):
            pltpu.make_async_copy(ich_src(f, h), ich[h % 2], sem_i[h % 2]).wait()
            if h + 1 < B // ICH:
                nf, nh = f, h + 1
            else:
                nf, nh = jnp.minimum(f + 1, NC - 1), 0
            pltpu.async_copy(ich_src(nf, nh), ich[1 - h % 2], sem_i[1 - h % 2])

            for q in range(ICH // RCH):
                c = h * (ICH // RCH) + q
                p = c % 2
                b0 = c * RCH
                dst = out_hbm.at[r, pl.ds(b0, RCH)]
                if c >= 2:
                    pltpu.make_async_copy(rch[p], dst, sem_o[p]).wait()
                else:
                    @pl.when(f > 0)
                    def _():
                        pltpu.make_async_copy(rch[p], dst, sem_o[p]).wait()

                @plsc.parallel_loop(0, RCH, 16, unroll=16)
                def _(g):
                    rch[p][pl.ds(g, 16)] = plsc.load_gather(
                        plane_v, [ich[h % 2][pl.ds(q * RCH + g, 16)]])
                pltpu.async_copy(rch[p], dst, sem_o[p])

        pltpu.async_copy(emb_hbm.at[jnp.minimum(f + 1, NC - 1), d],
                         plane_v, sem_p)
        for j in range(NKC // NC):
            num_chunk(f * (NKC // NC) + j, j % 2)
        return 0

    lax.fori_loop(0, NC, cat_task, 0)

    last = NN * D + (NC - 1) * D + d
    nq = B // RCH
    pltpu.make_async_copy(emb_hbm.at[NC - 1, d], plane_v, sem_p).wait()
    pltpu.make_async_copy(ich_src(NC - 1, 0), ich[0], sem_i[0]).wait()
    pltpu.make_async_copy(
        rch[0], out_hbm.at[last, pl.ds((nq - 2) * RCH, RCH)], sem_o[0]
    ).wait()
    pltpu.make_async_copy(
        rch[1], out_hbm.at[last, pl.ds((nq - 1) * RCH, RCH)], sem_o[1]
    ).wait()
    lastn = (NN - 1) * D + d
    lsrc, _, _ = xn_src(NKC - 1)
    pltpu.make_async_copy(lsrc, nch[0], sem_x[0]).wait()
    pltpu.make_async_copy(
        nch[1], out_hbm.at[lastn, pl.ds((CPR - 1) * NCH, NCH)], sem_n[1]
    ).wait()


@jax.jit
def _run(emb_t, idx_t, xn_t, w1, bias1):
    mesh = plsc.VectorSubcoreMesh(
        core_axis_name="c", subcore_axis_name="s",
        num_cores=NUM_CORES, num_subcores=NUM_SUBCORES)
    f = pl.kernel(
        _body,
        out_type=jax.ShapeDtypeStruct(((NN + NC) * D, B), jnp.float32),
        mesh=mesh,
        scratch_types=[
            pltpu.VMEM((V,), jnp.float32),
            pltpu.VMEM((ICH,), jnp.int32),
            pltpu.VMEM((ICH,), jnp.int32),
            pltpu.VMEM((RCH,), jnp.float32),
            pltpu.VMEM((RCH,), jnp.float32),
            pltpu.VMEM((NCH,), jnp.float32),
            pltpu.VMEM((NCH,), jnp.float32),
            pltpu.VMEM((NN * D,), jnp.float32),
            pltpu.VMEM((NN * D,), jnp.float32),
        ] + [pltpu.SemaphoreType.DMA] * 9,
        compiler_params=pltpu.CompilerParams(needs_layout_passes=False),
    )
    return f(emb_t, idx_t, xn_t, w1, bias1)


def kernel(x_numeric, x_categorical, W_num, b_num, emb):
    emb_t = jnp.transpose(emb, (0, 2, 1))
    idx_t = jnp.transpose(x_categorical[:, :, 0], (1, 0)).reshape(NC * B)
    xn_t = jnp.transpose(x_numeric[:, :, 0], (1, 0)).reshape(NN * B)
    w1 = W_num.reshape(NN * D)
    bias1 = b_num.reshape(NN * D)
    out = _run(emb_t, idx_t, xn_t, w1, bias1)
    return jnp.transpose(out, (1, 0)).reshape(B, 1, (NN + NC) * D)

# --- scband reference (transcript-rebuilt; emitter-appended) ---
"""Pipeline reference for scband-input-channel-embedding-75737453298182 (READ-ONLY COPY).

The authoritative reference and input builder live on the scoring server;
editing this copy changes nothing except your own understanding.
"""

import jax, jax.numpy as jnp
import numpy as np

B = 16384
NUM_NUM = 13
NUM_CAT = 26
D = 32
V = 100000


def setup_inputs(seed: int = 0) -> dict:
    key = jax.random.key(seed)
    k1, k2, k3, k4 = jax.random.split(key, 4)
    x_numeric = jax.random.normal(k1, (B, NUM_NUM, 1), dtype=jnp.float32)
    x_categorical = jax.random.randint(k2, (B, NUM_CAT, 1), 0, V, dtype=jnp.int32)
    # learned params: per-numeric-field Linear(1, D) weights/biases, per-categorical-field embedding tables
    W_num = jax.random.normal(k3, (NUM_NUM, 1, D), dtype=jnp.float32) * 0.02
    b_num = jnp.zeros((NUM_NUM, D), dtype=jnp.float32)
    emb = jax.random.normal(k4, (NUM_CAT, V, D), dtype=jnp.float32) * 0.02
    return {"x_numeric": x_numeric, "x_categorical": x_categorical, "W_num": W_num, "b_num": b_num, "emb": emb}


def reference(x_numeric, x_categorical, W_num, b_num, emb):
    # NumericInputTransformation: per-field Linear(1, D) applied to x_numeric[:, [i]] -> [B, 1, D] each;
    # torch.cat(..., dim=2) over the 13 fields -> [B, 1, 13*D]
    num_out = jnp.einsum('bnf,nfd->bnd', x_numeric, W_num) + b_num  # [B, 13, D]
    num_part = num_out.reshape(B, 1, NUM_NUM * D)
    # CategoricalInputTransformation: per-field embedding lookup of x_categorical[:, i] ([B, 1]) -> [B, 1, D];
    # torch.cat(..., dim=2) over the 26 fields -> [B, 1, 26*D]
    idx = x_categorical[:, :, 0]  # [B, 26]
    cat_out = emb[jnp.arange(NUM_CAT)[None, :], idx]  # gather: [B, 26, D]
    cat_part = cat_out.reshape(B, 1, NUM_CAT * D)
    merged = jnp.concatenate([num_part, cat_part], axis=2)  # [B, 1, (13+26)*D]
    return merged

if __name__ == "__main__":
    import jax
    _d = setup_inputs()
    print(jax.jit(kernel)(*tuple(_d.values())))

</pallas_src>

<mosaic_0001>
#map = affine_map<(d0, d1) -> (0, 0, 0)>
#map1 = affine_map<(d0, d1) -> (0)>
#map2 = affine_map<(d0, d1) -> (0, 0)>
module attributes {stable_mosaic.version = 14 : i64} {
  func.func @_body(%arg0: i32, %arg1: i32, %arg2: memref<26x32x100000xf32, #tpu.memory_space<hbm>>, %arg3: memref<425984xi32, #tpu.memory_space<hbm>>, %arg4: memref<212992xf32, #tpu.memory_space<hbm>>, %arg5: memref<416xf32, #tpu.memory_space<hbm>>, %arg6: memref<416xf32, #tpu.memory_space<hbm>>, %arg7: memref<1248x16384xf32, #tpu.memory_space<hbm>>, %arg8: memref<100000xf32, #tpu.memory_space<vmem>>, %arg9: memref<8192xi32, #tpu.memory_space<vmem>>, %arg10: memref<8192xi32, #tpu.memory_space<vmem>>, %arg11: memref<4096xf32, #tpu.memory_space<vmem>>, %arg12: memref<4096xf32, #tpu.memory_space<vmem>>, %arg13: memref<2048xf32, #tpu.memory_space<vmem>>, %arg14: memref<2048xf32, #tpu.memory_space<vmem>>, %arg15: memref<416xf32, #tpu.memory_space<vmem>>, %arg16: memref<416xf32, #tpu.memory_space<vmem>>, %arg17: memref<!tpu.dma_semaphore, #tpu.memory_space<semaphore_mem>>, %arg18: memref<!tpu.dma_semaphore, #tpu.memory_space<semaphore_mem>>, %arg19: memref<!tpu.dma_semaphore, #tpu.memory_space<semaphore_mem>>, %arg20: memref<!tpu.dma_semaphore, #tpu.memory_space<semaphore_mem>>, %arg21: memref<!tpu.dma_semaphore, #tpu.memory_space<semaphore_mem>>, %arg22: memref<!tpu.dma_semaphore, #tpu.memory_space<semaphore_mem>>, %arg23: memref<!tpu.dma_semaphore, #tpu.memory_space<semaphore_mem>>, %arg24: memref<!tpu.dma_semaphore, #tpu.memory_space<semaphore_mem>>, %arg25: memref<!tpu.dma_semaphore, #tpu.memory_space<semaphore_mem>>) attributes {dimension_semantics = [#tpu.dimension_semantics<core_parallel>, #tpu.dimension_semantics<subcore_parallel>], iteration_bounds = array<i64: 2, 16>, scalar_prefetch = 0 : i64, scratch_operands = 18 : i64, tpu.core_type = #tpu.core_type<sc_vector_subcore>, window_params = [{transform_indices = #map}, {transform_indices = #map1}, {transform_indices = #map1}, {transform_indices = #map1}, {transform_indices = #map1}, {transform_indices = #map2}]} {
    %mul3A = arith.constant 2 : i32
    %mul3A_0 = arith.muli %arg1, %mul3A : i32
    %add3A = arith.addi %mul3A_0, %arg0 : i32
    "tpu.region"() ({
      %run_scoped3A = tpu.sem_alloc : memref<!tpu.dma_semaphore, #tpu.memory_space<semaphore_mem>>
      tpu.enqueue_dma source(%arg5 : memref<416xf32, #tpu.memory_space<hbm>>) target(%arg15 : memref<416xf32, #tpu.memory_space<vmem>>) target_semaphore(%run_scoped3A : memref<!tpu.dma_semaphore, #tpu.memory_space<semaphore_mem>>)
      tpu.wait_dma2 semaphore(%run_scoped3A : memref<!tpu.dma_semaphore, #tpu.memory_space<semaphore_mem>>) src(%arg5 : memref<416xf32, #tpu.memory_space<hbm>>) dst(%arg15 : memref<416xf32, #tpu.memory_space<vmem>>)
      tpu.yield
    }) : () -> ()
    "tpu.region"() ({
      %run_scoped3A = tpu.sem_alloc : memref<!tpu.dma_semaphore, #tpu.memory_space<semaphore_mem>>
      tpu.enqueue_dma source(%arg6 : memref<416xf32, #tpu.memory_space<hbm>>) target(%arg16 : memref<416xf32, #tpu.memory_space<vmem>>) target_semaphore(%run_scoped3A : memref<!tpu.dma_semaphore, #tpu.memory_space<semaphore_mem>>)
      tpu.wait_dma2 semaphore(%run_scoped3A : memref<!tpu.dma_semaphore, #tpu.memory_space<semaphore_mem>>) src(%arg6 : memref<416xf32, #tpu.memory_space<hbm>>) dst(%arg16 : memref<416xf32, #tpu.memory_space<vmem>>)
      tpu.yield
    }) : () -> ()
    %broadcast_in_dim3A = vector.broadcast %add3A : i32 to vector<16xi32>
    %dma_start3A = arith.constant 0 : i32
    %dma_start3A_1 = arith.constant 0 : i32
    %dma_start3A_2 = tpu.memref_slice %arg2[%dma_start3A, %add3A, %dma_start3A_1] : memref<26x32x100000xf32, #tpu.memory_space<hbm>> -> memref<1x1x100000xf32, #tpu.memory_space<hbm>>
    %dma_start3A_3 = tpu.memref_squeeze %dma_start3A_2 : memref<1x1x100000xf32, #tpu.memory_space<hbm>> -> memref<100000xf32, #tpu.memory_space<hbm>>
    %dma_start3A_4 = arith.constant 0 : i32
    %dma_start3A_5 = tpu.memref_slice %arg2[%dma_start3A, %add3A, %dma_start3A_4] : memref<26x32x100000xf32, #tpu.memory_space<hbm>> -> memref<1x1x100000xf32, #tpu.memory_space<hbm>>
    %dma_start3A_6 = tpu.memref_squeeze %dma_start3A_5 : memref<1x1x100000xf32, #tpu.memory_space<hbm>> -> memref<100000xf32, #tpu.memory_space<hbm>>
    tpu.enqueue_dma source(%dma_start3A_6 : memref<100000xf32, #tpu.memory_space<hbm>>) target(%arg8 : memref<100000xf32, #tpu.memory_space<vmem>>) target_semaphore(%arg17 : memref<!tpu.dma_semaphore, #tpu.memory_space<semaphore_mem>>)
    %dma_start3A_7 = arith.constant 0 : i32
    %dma_start3A_8 = tpu.memref_slice %arg3[%dma_start3A_7] : memref<425984xi32, #tpu.memory_space<hbm>> -> memref<8192xi32, #tpu.memory_space<hbm>>
    %dma_start3A_9 = arith.constant 0 : i32
    %dma_start3A_10 = tpu.memref_slice %arg3[%dma_start3A_9] : memref<425984xi32, #tpu.memory_space<hbm>> -> memref<8192xi32, #tpu.memory_space<hbm>>
    tpu.enqueue_dma source(%dma_start3A_10 : memref<8192xi32, #tpu.memory_space<hbm>>) target(%arg9 : memref<8192xi32, #tpu.memory_space<vmem>>) target_semaphore(%arg18 : memref<!tpu.dma_semaphore, #tpu.memory_space<semaphore_mem>>)
    %dma_start3A_11 = arith.constant 0 : i32
    %dma_start3A_12 = tpu.memref_slice %arg4[%dma_start3A_11] : memref<212992xf32, #tpu.memory_space<hbm>> -> memref<2048xf32, #tpu.memory_space<hbm>>
    %dma_start3A_13 = arith.constant 0 : i32
    %dma_start3A_14 = tpu.memref_slice %arg4[%dma_start3A_13] : memref<212992xf32, #tpu.memory_space<hbm>> -> memref<2048xf32, #tpu.memory_space<hbm>>
    tpu.enqueue_dma source(%dma_start3A_14 : memref<2048xf32, #tpu.memory_space<hbm>>) target(%arg13 : memref<2048xf32, #tpu.memory_space<vmem>>) target_semaphore(%arg22 : memref<!tpu.dma_semaphore, #tpu.memory_space<semaphore_mem>>)
    %scan3A = arith.constant 0 : i32
    %scan3A_15 = arith.constant 0 : i32
    %scan3A_16 = arith.constant 26 : i32
    %scan3A_17 = arith.addi %scan3A_15, %scan3A_16 : i32
    %scan3A_18 = arith.constant 1 : i32
    %scan3A_19 = scf.for %scan3A_57 = %scan3A_15 to %scan3A_17 step %scan3A_18 iter_args(%scan3A_58 = %scan3A) -> (i32)  : i32 {
      %dma_wait3A_59 = arith.constant 0 : i32
      %dma_wait3A_60 = tpu.memref_slice %arg2[%scan3A_57, %add3A, %dma_wait3A_59] : memref<26x32x100000xf32, #tpu.memory_space<hbm>> -> memref<1x1x100000xf32, #tpu.memory_space<hbm>>
      %dma_wait3A_61 = tpu.memref_squeeze %dma_wait3A_60 : memref<1x1x100000xf32, #tpu.memory_space<hbm>> -> memref<100000xf32, #tpu.memory_space<hbm>>
      %dma_wait3A_62 = arith.constant 0 : i32
      %dma_wait3A_63 = tpu.memref_slice %arg2[%scan3A_57, %add3A, %dma_wait3A_62] : memref<26x32x100000xf32, #tpu.memory_space<hbm>> -> memref<1x1x100000xf32, #tpu.memory_space<hbm>>
      %dma_wait3A_64 = tpu.memref_squeeze %dma_wait3A_63 : memref<1x1x100000xf32, #tpu.memory_space<hbm>> -> memref<100000xf32, #tpu.memory_space<hbm>>
      tpu.wait_dma2 semaphore(%arg17 : memref<!tpu.dma_semaphore, #tpu.memory_space<semaphore_mem>>) src(%dma_wait3A_64 : memref<100000xf32, #tpu.memory_space<hbm>>) dst(%arg8 : memref<100000xf32, #tpu.memory_space<vmem>>)
      %mul3A_65 = arith.constant 32 : i32
      %mul3A_66 = arith.muli %scan3A_57, %mul3A_65 : i32
      %add3A_67 = arith.constant 416 : i32
      %add3A_68 = arith.addi %add3A_67, %mul3A_66 : i32
      %add3A_69 = arith.addi %add3A_68, %add3A : i32
      %mul3A_70 = arith.constant 16384 : i32
      %mul3A_71 = arith.muli %scan3A_57, %mul3A_70 : i32
      %add3A_72 = arith.constant 0 : i32
      %add3A_73 = arith.addi %mul3A_71, %add3A_72 : i32
      %dma_wait3A_74 = tpu.memref_slice %arg3[%add3A_73] : memref<425984xi32, #tpu.memory_space<hbm>> -> memref<8192xi32, #tpu.memory_space<hbm>>
      %dma_wait3A_75 = tpu.memref_slice %arg3[%add3A_73] : memref<425984xi32, #tpu.memory_space<hbm>> -> memref<8192xi32, #tpu.memory_space<hbm>>
      tpu.wait_dma2 semaphore(%arg18 : memref<!tpu.dma_semaphore, #tpu.memory_space<semaphore_mem>>) src(%dma_wait3A_75 : memref<8192xi32, #tpu.memory_space<hbm>>) dst(%arg9 : memref<8192xi32, #tpu.memory_space<vmem>>)
      %mul3A_76 = arith.constant 16384 : i32
      %mul3A_77 = arith.muli %scan3A_57, %mul3A_76 : i32
      %add3A_78 = arith.constant 8192 : i32
      %add3A_79 = arith.addi %mul3A_77, %add3A_78 : i32
      %dma_start3A_80 = tpu.memref_slice %arg3[%add3A_79] : memref<425984xi32, #tpu.memory_space<hbm>> -> memref<8192xi32, #tpu.memory_space<hbm>>
      %dma_start3A_81 = tpu.memref_slice %arg3[%add3A_79] : memref<425984xi32, #tpu.memory_space<hbm>> -> memref<8192xi32, #tpu.memory_space<hbm>>
      tpu.enqueue_dma source(%dma_start3A_81 : memref<8192xi32, #tpu.memory_space<hbm>>) target(%arg10 : memref<8192xi32, #tpu.memory_space<vmem>>) target_semaphore(%arg19 : memref<!tpu.dma_semaphore, #tpu.memory_space<semaphore_mem>>)
      %gt3A = arith.constant 0 : i32
      %gt3A_82 = arith.cmpi sgt, %scan3A_57, %gt3A : i32
      %convert_element_type3A = arith.extui %gt3A_82 : i1 to i32
      %cond3A = arith.constant 0 : i32
      %cond3A_83 = arith.cmpi ne, %convert_element_type3A, %cond3A : i32
      scf.if %cond3A_83 {
        %dma_wait3A_666 = arith.constant 0 : i32
        %dma_wait3A_667 = tpu.memref_slice %arg7[%add3A_69, %dma_wait3A_666] : memref<1248x16384xf32, #tpu.memory_space<hbm>> -> memref<1x4096xf32, #tpu.memory_space<hbm>>
        %dma_wait3A_668 = tpu.memref_squeeze %dma_wait3A_667 : memref<1x4096xf32, #tpu.memory_space<hbm>> -> memref<4096xf32, #tpu.memory_space<hbm>>
        %dma_wait3A_669 = arith.constant 0 : i32
        %dma_wait3A_670 = tpu.memref_slice %arg7[%add3A_69, %dma_wait3A_669] : memref<1248x16384xf32, #tpu.memory_space<hbm>> -> memref<1x4096xf32, #tpu.memory_space<hbm>>
        %dma_wait3A_671 = tpu.memref_squeeze %dma_wait3A_670 : memref<1x4096xf32, #tpu.memory_space<hbm>> -> memref<4096xf32, #tpu.memory_space<hbm>>
        tpu.wait_dma2 semaphore(%arg20 : memref<!tpu.dma_semaphore, #tpu.memory_space<semaphore_mem>>) src(%arg11 : memref<4096xf32, #tpu.memory_space<vmem>>) dst(%dma_wait3A_671 : memref<4096xf32, #tpu.memory_space<hbm>>)
      } else {
      }
      %parallel_loop3A = arith.constant 0 : i32
      %parallel_loop3A_84 = arith.constant 4096 : i32
      %parallel_loop3A_85 = arith.constant 16 : i32
      scf.for %parallel_loop3A_666 = %parallel_loop3A to %parallel_loop3A_84 step %parallel_loop3A_85  : i32 {
        %parallel_loop3A_667 = arith.constant 0 : i32
        %parallel_loop3A_668 = arith.addi %parallel_loop3A_667, %parallel_loop3A_666 : i32
        %parallel_loop3A_669 = arith.index_cast %parallel_loop3A_668 : i32 to index
        %parallel_loop3A_670 = tpu.vector_load %arg9[%parallel_loop3A_669] {strides = array<i32>} : memref<8192xi32, #tpu.memory_space<vmem>>, vector<16xi32>,
        %parallel_loop3A_671 = tpu.vector_load_idx %arg8[%parallel_loop3A_670] : memref<100000xf32, #tpu.memory_space<vmem>>[vector<16xi32>], vector<16xf32>,
        %parallel_loop3A_672 = arith.index_cast %parallel_loop3A_666 : i32 to index
        %parallel_loop3A_673 = tpu.vector_load %arg11[%parallel_loop3A_672] {strides = array<i32>} : memref<4096xf32, #tpu.memory_space<vmem>>, vector<16xf32>,
        tpu.vector_store %arg11[%parallel_loop3A_672], %parallel_loop3A_671 {strides = array<i32>} : memref<4096xf32, #tpu.memory_space<vmem>>, vector<16xf32>,
      } {sc.loop_unroll_factor = 16 : i64, sc.parallel_access}
      %dma_start3A_86 = arith.constant 0 : i32
      %dma_start3A_87 = tpu.memref_slice %arg7[%add3A_69, %dma_start3A_86] : memref<1248x16384xf32, #tpu.memory_space<hbm>> -> memref<1x4096xf32, #tpu.memory_space<hbm>>
      %dma_start3A_88 = tpu.memref_squeeze %dma_start3A_87 : memref<1x4096xf32, #tpu.memory_space<hbm>> -> memref<4096xf32, #tpu.memory_space<hbm>>
      %dma_start3A_89 = arith.constant 0 : i32
      %dma_start3A_90 = tpu.memref_slice %arg7[%add3A_69, %dma_start3A_89] : memref<1248x16384xf32, #tpu.memory_space<hbm>> -> memref<1x4096xf32, #tpu.memory_space<hbm>>
      %dma_start3A_91 = tpu.memref_squeeze %dma_start3A_90 : memref<1x4096xf32, #tpu.memory_space<hbm>> -> memref<4096xf32, #tpu.memory_space<hbm>>
      tpu.enqueue_dma source(%arg11 : memref<4096xf32, #tpu.memory_space<vmem>>) target(%dma_start3A_91 : memref<4096xf32, #tpu.memory_space<hbm>>) target_semaphore(%arg20 : memref<!tpu.dma_semaphore, #tpu.memory_space<semaphore_mem>>)
      %gt3A_92 = arith.constant 0 : i32
      %gt3A_93 = arith.cmpi sgt, %scan3A_57, %gt3A_92 : i32
      %convert_element_type3A_94 = arith.extui %gt3A_93 : i1 to i32
      %cond3A_95 = arith.constant 0 : i32
      %cond3A_96 = arith.cmpi ne, %convert_element_type3A_94, %cond3A_95 : i32
      scf.if %cond3A_96 {
        %dma_wait3A_666 = arith.constant 4096 : i32
        %dma_wait3A_667 = tpu.memref_slice %arg7[%add3A_69, %dma_wait3A_666] : memref<1248x16384xf32, #tpu.memory_space<hbm>> -> memref<1x4096xf32, #tpu.memory_space<hbm>>
        %dma_wait3A_668 = tpu.memref_squeeze %dma_wait3A_667 : memref<1x4096xf32, #tpu.memory_space<hbm>> -> memref<4096xf32, #tpu.memory_space<hbm>>
        %dma_wait3A_669 = arith.constant 4096 : i32
        %dma_wait3A_670 = tpu.memref_slice %arg7[%add3A_69, %dma_wait3A_669] : memref<1248x16384xf32, #tpu.memory_space<hbm>> -> memref<1x4096xf32, #tpu.memory_space<hbm>>
        %dma_wait3A_671 = tpu.memref_squeeze %dma_wait3A_670 : memref<1x4096xf32, #tpu.memory_space<hbm>> -> memref<4096xf32, #tpu.memory_space<hbm>>
        tpu.wait_dma2 semaphore(%arg21 : memref<!tpu.dma_semaphore, #tpu.memory_space<semaphore_mem>>) src(%arg12 : memref<4096xf32, #tpu.memory_space<vmem>>) dst(%dma_wait3A_671 : memref<4096xf32, #tpu.memory_space<hbm>>)
      } else {
      }
      %parallel_loop3A_97 = arith.constant 0 : i32
      %parallel_loop3A_98 = arith.constant 4096 : i32
      %parallel_loop3A_99 = arith.constant 16 : i32
      scf.for %parallel_loop3A_666 = %parallel_loop3A_97 to %parallel_loop3A_98 step %parallel_loop3A_99  : i32 {
        %parallel_loop3A_667 = arith.constant 4096 : i32
        %parallel_loop3A_668 = arith.addi %parallel_loop3A_667, %parallel_loop3A_666 : i32
        %parallel_loop3A_669 = arith.index_cast %parallel_loop3A_668 : i32 to index
        %parallel_loop3A_670 = tpu.vector_load %arg9[%parallel_loop3A_669] {strides = array<i32>} : memref<8192xi32, #tpu.memory_space<vmem>>, vector<16xi32>,
        %parallel_loop3A_671 = tpu.vector_load_idx %arg8[%parallel_loop3A_670] : memref<100000xf32, #tpu.memory_space<vmem>>[vector<16xi32>], vector<16xf32>,
        %parallel_loop3A_672 = arith.index_cast %parallel_loop3A_666 : i32 to index
        %parallel_loop3A_673 = tpu.vector_load %arg12[%parallel_loop3A_672] {strides = array<i32>} : memref<4096xf32, #tpu.memory_space<vmem>>, vector<16xf32>,
        tpu.vector_store %arg12[%parallel_loop3A_672], %parallel_loop3A_671 {strides = array<i32>} : memref<4096xf32, #tpu.memory_space<vmem>>, vector<16xf32>,
      } {sc.loop_unroll_factor = 16 : i64, sc.parallel_access}
      %dma_start3A_100 = arith.constant 4096 : i32
      %dma_start3A_101 = tpu.memref_slice %arg7[%add3A_69, %dma_start3A_100] : memref<1248x16384xf32, #tpu.memory_space<hbm>> -> memref<1x4096xf32, #tpu.memory_space<hbm>>
      %dma_start3A_102 = tpu.memref_squeeze %dma_start3A_101 : memref<1x4096xf32, #tpu.memory_space<hbm>> -> memref<4096xf32, #tpu.memory_space<hbm>>
      %dma_start3A_103 = arith.constant 4096 : i32
      %dma_start3A_104 = tpu.memref_slice %arg7[%add3A_69, %dma_start3A_103] : memref<1248x16384xf32, #tpu.memory_space<hbm>> -> memref<1x4096xf32, #tpu.memory_space<hbm>>
      %dma_start3A_105 = tpu.memref_squeeze %dma_start3A_104 : memref<1x4096xf32, #tpu.memory_space<hbm>> -> memref<4096xf32, #tpu.memory_space<hbm>>
      tpu.enqueue_dma source(%arg12 : memref<4096xf32, #tpu.memory_space<vmem>>) target(%dma_start3A_105 : memref<4096xf32, #tpu.memory_space<hbm>>) target_semaphore(%arg21 : memref<!tpu.dma_semaphore, #tpu.memory_space<semaphore_mem>>)
      %mul3A_106 = arith.constant 16384 : i32
      %mul3A_107 = arith.muli %scan3A_57, %mul3A_106 : i32
      %add3A_108 = arith.constant 8192 : i32
      %add3A_109 = arith.addi %mul3A_107, %add3A_108 : i32
      %dma_wait3A_110 = tpu.memref_slice %arg3[%add3A_109] : memref<425984xi32, #tpu.memory_space<hbm>> -> memref<8192xi32, #tpu.memory_space<hbm>>
      %dma_wait3A_111 = tpu.memref_slice %arg3[%add3A_109] : memref<425984xi32, #tpu.memory_space<hbm>> -> memref<8192xi32, #tpu.memory_space<hbm>>
      tpu.wait_dma2 semaphore(%arg19 : memref<!tpu.dma_semaphore, #tpu.memory_space<semaphore_mem>>) src(%dma_wait3A_111 : memref<8192xi32, #tpu.memory_space<hbm>>) dst(%arg10 : memref<8192xi32, #tpu.memory_space<vmem>>)
      %add3A_112 = arith.constant 1 : i32
      %add3A_113 = arith.addi %scan3A_57, %add3A_112 : i32
      %min3A = arith.constant 25 : i32
      %min3A_114 = arith.minsi %add3A_113, %min3A : i32
      %mul3A_115 = arith.constant 16384 : i32
      %mul3A_116 = arith.muli %min3A_114, %mul3A_115 : i32
      %add3A_117 = arith.constant 0 : i32
      %add3A_118 = arith.addi %mul3A_116, %add3A_117 : i32
      %dma_start3A_119 = tpu.memref_slice %arg3[%add3A_118] : memref<425984xi32, #tpu.memory_space<hbm>> -> memref<8192xi32, #tpu.memory_space<hbm>>
      %dma_start3A_120 = tpu.memref_slice %arg3[%add3A_118] : memref<425984xi32, #tpu.memory_space<hbm>> -> memref<8192xi32, #tpu.memory_space<hbm>>
      tpu.enqueue_dma source(%dma_start3A_120 : memref<8192xi32, #tpu.memory_space<hbm>>) target(%arg9 : memref<8192xi32, #tpu.memory_space<vmem>>) target_semaphore(%arg18 : memref<!tpu.dma_semaphore, #tpu.memory_space<semaphore_mem>>)
      %dma_wait3A_121 = arith.constant 8192 : i32
      %dma_wait3A_122 = tpu.memref_slice %arg7[%add3A_69, %dma_wait3A_121] : memref<1248x16384xf32, #tpu.memory_space<hbm>> -> memref<1x4096xf32, #tpu.memory_space<hbm>>
      %dma_wait3A_123 = tpu.memref_squeeze %dma_wait3A_122 : memref<1x4096xf32, #tpu.memory_space<hbm>> -> memref<4096xf32, #tpu.memory_space<hbm>>
      %dma_wait3A_124 = arith.constant 8192 : i32
      %dma_wait3A_125 = tpu.memref_slice %arg7[%add3A_69, %dma_wait3A_124] : memref<1248x16384xf32, #tpu.memory_space<hbm>> -> memref<1x4096xf32, #tpu.memory_space<hbm>>
      %dma_wait3A_126 = tpu.memref_squeeze %dma_wait3A_125 : memref<1x4096xf32, #tpu.memory_space<hbm>> -> memref<4096xf32, #tpu.memory_space<hbm>>
      tpu.wait_dma2 semaphore(%arg20 : memref<!tpu.dma_semaphore, #tpu.memory_space<semaphore_mem>>) src(%arg11 : memref<4096xf32, #tpu.memory_space<vmem>>) dst(%dma_wait3A_126 : memref<4096xf32, #tpu.memory_space<hbm>>)
      %parallel_loop3A_127 = arith.constant 0 : i32
      %parallel_loop3A_128 = arith.constant 4096 : i32
      %parallel_loop3A_129 = arith.constant 16 : i32
      scf.for %parallel_loop3A_666 = %parallel_loop3A_127 to %parallel_loop3A_128 step %parallel_loop3A_129  : i32 {
        %parallel_loop3A_667 = arith.constant 0 : i32
        %parallel_loop3A_668 = arith.addi %parallel_loop3A_667, %parallel_loop3A_666 : i32
        %parallel_loop3A_669 = arith.index_cast %parallel_loop3A_668 : i32 to index
        %parallel_loop3A_670 = tpu.vector_load %arg10[%parallel_loop3A_669] {strides = array<i32>} : memref<8192xi32, #tpu.memory_space<vmem>>, vector<16xi32>,
        %parallel_loop3A_671 = tpu.vector_load_idx %arg8[%parallel_loop3A_670] : memref<100000xf32, #tpu.memory_space<vmem>>[vector<16xi32>], vector<16xf32>,
        %parallel_loop3A_672 = arith.index_cast %parallel_loop3A_666 : i32 to index
        %parallel_loop3A_673 = tpu.vector_load %arg11[%parallel_loop3A_672] {strides = array<i32>} : memref<4096xf32, #tpu.memory_space<vmem>>, vector<16xf32>,
        tpu.vector_store %arg11[%parallel_loop3A_672], %parallel_loop3A_671 {strides = array<i32>} : memref<4096xf32, #tpu.memory_space<vmem>>, vector<16xf32>,
      } {sc.loop_unroll_factor = 16 : i64, sc.parallel_access}
      %dma_start3A_130 = arith.constant 8192 : i32
      %dma_start3A_131 = tpu.memref_slice %arg7[%add3A_69, %dma_start3A_130] : memref<1248x16384xf32, #tpu.memory_space<hbm>> -> memref<1x4096xf32, #tpu.memory_space<hbm>>
      %dma_start3A_132 = tpu.memref_squeeze %dma_start3A_131 : memref<1x4096xf32, #tpu.memory_space<hbm>> -> memref<4096xf32, #tpu.memory_space<hbm>>
      %dma_start3A_133 = arith.constant 8192 : i32
      %dma_start3A_134 = tpu.memref_slice %arg7[%add3A_69, %dma_start3A_133] : memref<1248x16384xf32, #tpu.memory_space<hbm>> -> memref<1x4096xf32, #tpu.memory_space<hbm>>
      %dma_start3A_135 = tpu.memref_squeeze %dma_start3A_134 : memref<1x4096xf32, #tpu.memory_space<hbm>> -> memref<4096xf32, #tpu.memory_space<hbm>>
      tpu.enqueue_dma source(%arg11 : memref<4096xf32, #tpu.memory_space<vmem>>) target(%dma_start3A_135 : memref<4096xf32, #tpu.memory_space<hbm>>) target_semaphore(%arg20 : memref<!tpu.dma_semaphore, #tpu.memory_space<semaphore_mem>>)
      %dma_wait3A_136 = arith.constant 12288 : i32
      %dma_wait3A_137 = tpu.memref_slice %arg7[%add3A_69, %dma_wait3A_136] : memref<1248x16384xf32, #tpu.memory_space<hbm>> -> memref<1x4096xf32, #tpu.memory_space<hbm>>
      %dma_wait3A_138 = tpu.memref_squeeze %dma_wait3A_137 : memref<1x4096xf32, #tpu.memory_space<hbm>> -> memref<4096xf32, #tpu.memory_space<hbm>>
      %dma_wait3A_139 = arith.constant 12288 : i32
      %dma_wait3A_140 = tpu.memref_slice %arg7[%add3A_69, %dma_wait3A_139] : memref<1248x16384xf32, #tpu.memory_space<hbm>> -> memref<1x4096xf32, #tpu.memory_space<hbm>>
      %dma_wait3A_141 = tpu.memref_squeeze %dma_wait3A_140 : memref<1x4096xf32, #tpu.memory_space<hbm>> -> memref<4096xf32, #tpu.memory_space<hbm>>
      tpu.wait_dma2 semaphore(%arg21 : memref<!tpu.dma_semaphore, #tpu.memory_space<semaphore_mem>>) src(%arg12 : memref<4096xf32, #tpu.memory_space<vmem>>) dst(%dma_wait3A_141 : memref<4096xf32, #tpu.memory_space<hbm>>)
      %parallel_loop3A_142 = arith.constant 0 : i32
      %parallel_loop3A_143 = arith.constant 4096 : i32
      %parallel_loop3A_144 = arith.constant 16 : i32
      scf.for %parallel_loop3A_666 = %parallel_loop3A_142 to %parallel_loop3A_143 step %parallel_loop3A_144  : i32 {
        %parallel_loop3A_667 = arith.constant 4096 : i32
        %parallel_loop3A_668 = arith.addi %parallel_loop3A_667, %parallel_loop3A_666 : i32
        %parallel_loop3A_669 = arith.index_cast %parallel_loop3A_668 : i32 to index
        %parallel_loop3A_670 = tpu.vector_load %arg10[%parallel_loop3A_669] {strides = array<i32>} : memref<8192xi32, #tpu.memory_space<vmem>>, vector<16xi32>,
        %parallel_loop3A_671 = tpu.vector_load_idx %arg8[%parallel_loop3A_670] : memref<100000xf32, #tpu.memory_space<vmem>>[vector<16xi32>], vector<16xf32>,
        %parallel_loop3A_672 = arith.index_cast %parallel_loop3A_666 : i32 to index
        %parallel_loop3A_673 = tpu.vector_load %arg12[%parallel_loop3A_672] {strides = array<i32>} : memref<4096xf32, #tpu.memory_space<vmem>>, vector<16xf32>,
        tpu.vector_store %arg12[%parallel_loop3A_672], %parallel_loop3A_671 {strides = array<i32>} : memref<4096xf32, #tpu.memory_space<vmem>>, vector<16xf32>,
      } {sc.loop_unroll_factor = 16 : i64, sc.parallel_access}
      %dma_start3A_145 = arith.constant 12288 : i32
      %dma_start3A_146 = tpu.memref_slice %arg7[%add3A_69, %dma_start3A_145] : memref<1248x16384xf32, #tpu.memory_space<hbm>> -> memref<1x4096xf32, #tpu.memory_space<hbm>>
      %dma_start3A_147 = tpu.memref_squeeze %dma_start3A_146 : memref<1x4096xf32, #tpu.memory_space<hbm>> -> memref<4096xf32, #tpu.memory_space<hbm>>
      %dma_start3A_148 = arith.constant 12288 : i32
      %dma_start3A_149 = tpu.memref_slice %arg7[%add3A_69, %dma_start3A_148] : memref<1248x16384xf32, #tpu.memory_space<hbm>> -> memref<1x4096xf32, #tpu.memory_space<hbm>>
      %dma_start3A_150 = tpu.memref_squeeze %dma_start3A_149 : memref<1x4096xf32, #tpu.memory_space<hbm>> -> memref<4096xf32, #tpu.memory_space<hbm>>
      tpu.enqueue_dma source(%arg12 : memref<4096xf32, #tpu.memory_space<vmem>>) target(%dma_start3A_150 : memref<4096xf32, #tpu.memory_space<hbm>>) target_semaphore(%arg21 : memref<!tpu.dma_semaphore, #tpu.memory_space<semaphore_mem>>)
      %add3A_151 = arith.constant 1 : i32
      %add3A_152 = arith.addi %scan3A_57, %add3A_151 : i32
      %min3A_153 = arith.constant 25 : i32
      %min3A_154 = arith.minsi %add3A_152, %min3A_153 : i32
      %dma_start3A_155 = arith.constant 0 : i32
      %dma_start3A_156 = tpu.memref_slice %arg2[%min3A_154, %add3A, %dma_start3A_155] : memref<26x32x100000xf32, #tpu.memory_space<hbm>> -> memref<1x1x100000xf32, #tpu.memory_space<hbm>>
      %dma_start3A_157 = tpu.memref_squeeze %dma_start3A_156 : memref<1x1x100000xf32, #tpu.memory_space<hbm>> -> memref<100000xf32, #tpu.memory_space<hbm>>
      %dma_start3A_158 = arith.constant 0 : i32
      %dma_start3A_159 = tpu.memref_slice %arg2[%min3A_154, %add3A, %dma_start3A_158] : memref<26x32x100000xf32, #tpu.memory_space<hbm>> -> memref<1x1x100000xf32, #tpu.memory_space<hbm>>
      %dma_start3A_160 = tpu.memref_squeeze %dma_start3A_159 : memref<1x1x100000xf32, #tpu.memory_space<hbm>> -> memref<100000xf32, #tpu.memory_space<hbm>>
      tpu.enqueue_dma source(%dma_start3A_160 : memref<100000xf32, #tpu.memory_space<hbm>>) target(%arg8 : memref<100000xf32, #tpu.memory_space<vmem>>) target_semaphore(%arg17 : memref<!tpu.dma_semaphore, #tpu.memory_space<semaphore_mem>>)
      %mul3A_161 = arith.constant 4 : i32
      %mul3A_162 = arith.muli %scan3A_57, %mul3A_161 : i32
      %add3A_163 = arith.constant 0 : i32
      %add3A_164 = arith.addi %mul3A_162, %add3A_163 : i32
      %jit3A = arith.constant 8 : i32
      %div3A = arith.divsi %add3A_164, %jit3A : i32
      %sign3A = arith.constant 0 : i32
      %sign3A_165 = arith.cmpi sgt, %add3A_164, %sign3A : i32
      %sign3A_166 = arith.extui %sign3A_165 : i1 to i32
      %sign3A_167 = arith.constant 0 : i32
      %sign3A_168 = arith.cmpi slt, %add3A_164, %sign3A_167 : i32
      %sign3A_169 = arith.extui %sign3A_168 : i1 to i32
      %sign3A_170 = arith.subi %sign3A_166, %sign3A_169 : i32
      %sign3A_171 = arith.constant 0 : i32
      %sign3A_172 = arith.cmpi sgt, %jit3A, %sign3A_171 : i32
      %sign3A_173 = arith.extui %sign3A_172 : i1 to i32
      %sign3A_174 = arith.constant 0 : i32
      %sign3A_175 = arith.cmpi slt, %jit3A, %sign3A_174 : i32
      %sign3A_176 = arith.extui %sign3A_175 : i1 to i32
      %sign3A_177 = arith.subi %sign3A_173, %sign3A_176 : i32
      %ne3A = arith.cmpi ne, %sign3A_170, %sign3A_177 : i32
      %rem3A = arith.remsi %add3A_164, %jit3A : i32
      %ne3A_178 = arith.constant 0 : i32
      %ne3A_179 = arith.cmpi ne, %rem3A, %ne3A_178 : i32
      %and3A = arith.andi %ne3A, %ne3A_179 : i1
      %sub3A = arith.constant 1 : i32
      %sub3A_180 = arith.subi %div3A, %sub3A : i32
      %select_n3A = arith.select %and3A, %sub3A_180, %div3A : i32
      %jit3A_181 = arith.constant 8 : i32
      %eq3A = arith.constant 0 : i32
      %eq3A_182 = arith.cmpi eq, %jit3A_181, %eq3A : i32
      %jit3A_183 = arith.constant 1 : i32
      %select_n3A_184 = arith.select %eq3A_182, %jit3A_183, %jit3A_181 : i32
      %rem3A_185 = arith.remsi %add3A_164, %select_n3A_184 : i32
      %ne3A_186 = arith.constant 0 : i32
      %ne3A_187 = arith.cmpi ne, %rem3A_185, %ne3A_186 : i32
      %lt3A = arith.constant 0 : i32
      %lt3A_188 = arith.cmpi slt, %rem3A_185, %lt3A : i32
      %lt3A_189 = arith.constant 0 : i32
      %lt3A_190 = arith.cmpi slt, %select_n3A_184, %lt3A_189 : i32
      %ne3A_191 = arith.xori %lt3A_188, %lt3A_190 : i1
      %and3A_192 = arith.andi %ne3A_191, %ne3A_187 : i1
      %add3A_193 = arith.addi %rem3A_185, %select_n3A_184 : i32
      %select_n3A_194 = arith.select %and3A_192, %add3A_193, %rem3A_185 : i32
      %mul3A_195 = arith.constant 16384 : i32
      %mul3A_196 = arith.muli %select_n3A, %mul3A_195 : i32
      %mul3A_197 = arith.constant 2048 : i32
      %mul3A_198 = arith.muli %select_n3A_194, %mul3A_197 : i32
      %add3A_199 = arith.addi %mul3A_196, %mul3A_198 : i32
      %mul3A_200 = arith.constant 32 : i32
      %mul3A_201 = arith.muli %select_n3A, %mul3A_200 : i32
      %add3A_202 = vector.broadcast %mul3A_201 : i32 to vector<16xi32>
      %add3A_203 = arith.addi %add3A_202, %broadcast_in_dim3A : vector<16xi32>
      %gather3A = tpu.vector_load_idx %arg15[%add3A_203] : memref<416xf32, #tpu.memory_space<vmem>>[vector<16xi32>], vector<16xf32>,
      %mul3A_204 = arith.constant 32 : i32
      %mul3A_205 = arith.muli %select_n3A, %mul3A_204 : i32
      %add3A_206 = vector.broadcast %mul3A_205 : i32 to vector<16xi32>
      %add3A_207 = arith.addi %add3A_206, %broadcast_in_dim3A : vector<16xi32>
      %gather3A_208 = tpu.vector_load_idx %arg16[%add3A_207] : memref<416xf32, #tpu.memory_space<vmem>>[vector<16xi32>], vector<16xf32>,
      %mul3A_209 = arith.constant 32 : i32
      %mul3A_210 = arith.muli %select_n3A, %mul3A_209 : i32
      %add3A_211 = arith.addi %mul3A_210, %add3A : i32
      %mul3A_212 = arith.constant 2048 : i32
      %mul3A_213 = arith.muli %select_n3A_194, %mul3A_212 : i32
      %dma_wait3A_214 = tpu.memref_slice %arg4[%add3A_199] : memref<212992xf32, #tpu.memory_space<hbm>> -> memref<2048xf32, #tpu.memory_space<hbm>>
      %dma_wait3A_215 = tpu.memref_slice %arg4[%add3A_199] : memref<212992xf32, #tpu.memory_space<hbm>> -> memref<2048xf32, #tpu.memory_space<hbm>>
      tpu.wait_dma2 semaphore(%arg22 : memref<!tpu.dma_semaphore, #tpu.memory_space<semaphore_mem>>) src(%dma_wait3A_215 : memref<2048xf32, #tpu.memory_space<hbm>>) dst(%arg13 : memref<2048xf32, #tpu.memory_space<vmem>>)
      %parallel_loop3A_216 = arith.constant 0 : i32
      %parallel_loop3A_217 = arith.constant 2048 : i32
      %parallel_loop3A_218 = arith.constant 16 : i32
      scf.for %parallel_loop3A_666 = %parallel_loop3A_216 to %parallel_loop3A_217 step %parallel_loop3A_218  : i32 {
        %parallel_loop3A_667 = arith.index_cast %parallel_loop3A_666 : i32 to index
        %parallel_loop3A_668 = tpu.vector_load %arg13[%parallel_loop3A_667] {strides = array<i32>} : memref<2048xf32, #tpu.memory_space<vmem>>, vector<16xf32>,
        %parallel_loop3A_669 = arith.mulf %parallel_loop3A_668, %gather3A : vector<16xf32>
        %parallel_loop3A_670 = arith.addf %parallel_loop3A_669, %gather3A_208 : vector<16xf32>
        %parallel_loop3A_671 = arith.index_cast %parallel_loop3A_666 : i32 to index
        %parallel_loop3A_672 = tpu.vector_load %arg13[%parallel_loop3A_671] {strides = array<i32>} : memref<2048xf32, #tpu.memory_space<vmem>>, vector<16xf32>,
        tpu.vector_store %arg13[%parallel_loop3A_671], %parallel_loop3A_670 {strides = array<i32>} : memref<2048xf32, #tpu.memory_space<vmem>>, vector<16xf32>,
      } {sc.loop_unroll_factor = 8 : i64, sc.parallel_access}
      %dma_start3A_219 = tpu.memref_slice %arg7[%add3A_211, %mul3A_213] : memref<1248x16384xf32, #tpu.memory_space<hbm>> -> memref<1x2048xf32, #tpu.memory_space<hbm>>
      %dma_start3A_220 = tpu.memref_squeeze %dma_start3A_219 : memref<1x2048xf32, #tpu.memory_space<hbm>> -> memref<2048xf32, #tpu.memory_space<hbm>>
      %dma_start3A_221 = tpu.memref_slice %arg7[%add3A_211, %mul3A_213] : memref<1248x16384xf32, #tpu.memory_space<hbm>> -> memref<1x2048xf32, #tpu.memory_space<hbm>>
      %dma_start3A_222 = tpu.memref_squeeze %dma_start3A_221 : memref<1x2048xf32, #tpu.memory_space<hbm>> -> memref<2048xf32, #tpu.memory_space<hbm>>
      tpu.enqueue_dma source(%arg13 : memref<2048xf32, #tpu.memory_space<vmem>>) target(%dma_start3A_222 : memref<2048xf32, #tpu.memory_space<hbm>>) target_semaphore(%arg24 : memref<!tpu.dma_semaphore, #tpu.memory_space<semaphore_mem>>)
      %ge3A = arith.constant 1 : i32
      %ge3A_223 = arith.cmpi sge, %add3A_164, %ge3A : i32
      %convert_element_type3A_224 = arith.extui %ge3A_223 : i1 to i32
      %cond3A_225 = arith.constant 0 : i32
      %cond3A_226 = arith.cmpi ne, %convert_element_type3A_224, %cond3A_225 : i32
      scf.if %cond3A_226 {
        %dma_wait3A_666 = tpu.memref_slice %arg7[%add3A_211, %mul3A_213] : memref<1248x16384xf32, #tpu.memory_space<hbm>> -> memref<1x2048xf32, #tpu.memory_space<hbm>>
        %dma_wait3A_667 = tpu.memref_squeeze %dma_wait3A_666 : memref<1x2048xf32, #tpu.memory_space<hbm>> -> memref<2048xf32, #tpu.memory_space<hbm>>
        %dma_wait3A_668 = tpu.memref_slice %arg7[%add3A_211, %mul3A_213] : memref<1248x16384xf32, #tpu.memory_space<hbm>> -> memref<1x2048xf32, #tpu.memory_space<hbm>>
        %dma_wait3A_669 = tpu.memref_squeeze %dma_wait3A_668 : memref<1x2048xf32, #tpu.memory_space<hbm>> -> memref<2048xf32, #tpu.memory_space<hbm>>
        tpu.wait_dma2 semaphore(%arg25 : memref<!tpu.dma_semaphore, #tpu.memory_space<semaphore_mem>>) src(%arg14 : memref<2048xf32, #tpu.memory_space<vmem>>) dst(%dma_wait3A_669 : memref<2048xf32, #tpu.memory_space<hbm>>)
      } else {
      }
      %add3A_227 = arith.constant 1 : i32
      %add3A_228 = arith.addi %add3A_164, %add3A_227 : i32
      %min3A_229 = arith.constant 103 : i32
      %min3A_230 = arith.minsi %add3A_228, %min3A_229 : i32
      %jit3A_231 = arith.constant 8 : i32
      %div3A_232 = arith.divsi %min3A_230, %jit3A_231 : i32
      %sign3A_233 = arith.constant 0 : i32
      %sign3A_234 = arith.cmpi sgt, %min3A_230, %sign3A_233 : i32
      %sign3A_235 = arith.extui %sign3A_234 : i1 to i32
      %sign3A_236 = arith.constant 0 : i32
      %sign3A_237 = arith.cmpi slt, %min3A_230, %sign3A_236 : i32
      %sign3A_238 = arith.extui %sign3A_237 : i1 to i32
      %sign3A_239 = arith.subi %sign3A_235, %sign3A_238 : i32
      %sign3A_240 = arith.constant 0 : i32
      %sign3A_241 = arith.cmpi sgt, %jit3A_231, %sign3A_240 : i32
      %sign3A_242 = arith.extui %sign3A_241 : i1 to i32
      %sign3A_243 = arith.constant 0 : i32
      %sign3A_244 = arith.cmpi slt, %jit3A_231, %sign3A_243 : i32
      %sign3A_245 = arith.extui %sign3A_244 : i1 to i32
      %sign3A_246 = arith.subi %sign3A_242, %sign3A_245 : i32
      %ne3A_247 = arith.cmpi ne, %sign3A_239, %sign3A_246 : i32
      %rem3A_248 = arith.remsi %min3A_230, %jit3A_231 : i32
      %ne3A_249 = arith.constant 0 : i32
      %ne3A_250 = arith.cmpi ne, %rem3A_248, %ne3A_249 : i32
      %and3A_251 = arith.andi %ne3A_247, %ne3A_250 : i1
      %sub3A_252 = arith.constant 1 : i32
      %sub3A_253 = arith.subi %div3A_232, %sub3A_252 : i32
      %select_n3A_254 = arith.select %and3A_251, %sub3A_253, %div3A_232 : i32
      %jit3A_255 = arith.constant 8 : i32
      %eq3A_256 = arith.constant 0 : i32
      %eq3A_257 = arith.cmpi eq, %jit3A_255, %eq3A_256 : i32
      %jit3A_258 = arith.constant 1 : i32
      %select_n3A_259 = arith.select %eq3A_257, %jit3A_258, %jit3A_255 : i32
      %rem3A_260 = arith.remsi %min3A_230, %select_n3A_259 : i32
      %ne3A_261 = arith.constant 0 : i32
      %ne3A_262 = arith.cmpi ne, %rem3A_260, %ne3A_261 : i32
      %lt3A_263 = arith.constant 0 : i32
      %lt3A_264 = arith.cmpi slt, %rem3A_260, %lt3A_263 : i32
      %lt3A_265 = arith.constant 0 : i32
      %lt3A_266 = arith.cmpi slt, %select_n3A_259, %lt3A_265 : i32
      %ne3A_267 = arith.xori %lt3A_264, %lt3A_266 : i1
      %and3A_268 = arith.andi %ne3A_267, %ne3A_262 : i1
      %add3A_269 = arith.addi %rem3A_260, %select_n3A_259 : i32
      %select_n3A_270 = arith.select %and3A_268, %add3A_269, %rem3A_260 : i32
      %mul3A_271 = arith.constant 16384 : i32
      %mul3A_272 = arith.muli %select_n3A_254, %mul3A_271 : i32
      %mul3A_273 = arith.constant 2048 : i32
      %mul3A_274 = arith.muli %select_n3A_270, %mul3A_273 : i32
      %add3A_275 = arith.addi %mul3A_272, %mul3A_274 : i32
      %dma_start3A_276 = tpu.memref_slice %arg4[%add3A_275] : memref<212992xf32, #tpu.memory_space<hbm>> -> memref<2048xf32, #tpu.memory_space<hbm>>
      %dma_start3A_277 = tpu.memref_slice %arg4[%add3A_275] : memref<212992xf32, #tpu.memory_space<hbm>> -> memref<2048xf32, #tpu.memory_space<hbm>>
      tpu.enqueue_dma source(%dma_start3A_277 : memref<2048xf32, #tpu.memory_space<hbm>>) target(%arg14 : memref<2048xf32, #tpu.memory_space<vmem>>) target_semaphore(%arg23 : memref<!tpu.dma_semaphore, #tpu.memory_space<semaphore_mem>>)
      %mul3A_278 = arith.constant 4 : i32
      %mul3A_279 = arith.muli %scan3A_57, %mul3A_278 : i32
      %add3A_280 = arith.constant 1 : i32
      %add3A_281 = arith.addi %mul3A_279, %add3A_280 : i32
      %jit3A_282 = arith.constant 8 : i32
      %div3A_283 = arith.divsi %add3A_281, %jit3A_282 : i32
      %sign3A_284 = arith.constant 0 : i32
      %sign3A_285 = arith.cmpi sgt, %add3A_281, %sign3A_284 : i32
      %sign3A_286 = arith.extui %sign3A_285 : i1 to i32
      %sign3A_287 = arith.constant 0 : i32
      %sign3A_288 = arith.cmpi slt, %add3A_281, %sign3A_287 : i32
      %sign3A_289 = arith.extui %sign3A_288 : i1 to i32
      %sign3A_290 = arith.subi %sign3A_286, %sign3A_289 : i32
      %sign3A_291 = arith.constant 0 : i32
      %sign3A_292 = arith.cmpi sgt, %jit3A_282, %sign3A_291 : i32
      %sign3A_293 = arith.extui %sign3A_292 : i1 to i32
      %sign3A_294 = arith.constant 0 : i32
      %sign3A_295 = arith.cmpi slt, %jit3A_282, %sign3A_294 : i32
      %sign3A_296 = arith.extui %sign3A_295 : i1 to i32
      %sign3A_297 = arith.subi %sign3A_293, %sign3A_296 : i32
      %ne3A_298 = arith.cmpi ne, %sign3A_290, %sign3A_297 : i32
      %rem3A_299 = arith.remsi %add3A_281, %jit3A_282 : i32
      %ne3A_300 = arith.constant 0 : i32
      %ne3A_301 = arith.cmpi ne, %rem3A_299, %ne3A_300 : i32
      %and3A_302 = arith.andi %ne3A_298, %ne3A_301 : i1
      %sub3A_303 = arith.constant 1 : i32
      %sub3A_304 = arith.subi %div3A_283, %sub3A_303 : i32
      %select_n3A_305 = arith.select %and3A_302, %sub3A_304, %div3A_283 : i32
      %jit3A_306 = arith.constant 8 : i32
      %eq3A_307 = arith.constant 0 : i32
      %eq3A_308 = arith.cmpi eq, %jit3A_306, %eq3A_307 : i32
      %jit3A_309 = arith.constant 1 : i32
      %select_n3A_310 = arith.select %eq3A_308, %jit3A_309, %jit3A_306 : i32
      %rem3A_311 = arith.remsi %add3A_281, %select_n3A_310 : i32
      %ne3A_312 = arith.constant 0 : i32
      %ne3A_313 = arith.cmpi ne, %rem3A_311, %ne3A_312 : i32
      %lt3A_314 = arith.constant 0 : i32
      %lt3A_315 = arith.cmpi slt, %rem3A_311, %lt3A_314 : i32
      %lt3A_316 = arith.constant 0 : i32
      %lt3A_317 = arith.cmpi slt, %select_n3A_310, %lt3A_316 : i32
      %ne3A_318 = arith.xori %lt3A_315, %lt3A_317 : i1
      %and3A_319 = arith.andi %ne3A_318, %ne3A_313 : i1
      %add3A_320 = arith.addi %rem3A_311, %select_n3A_310 : i32
      %select_n3A_321 = arith.select %and3A_319, %add3A_320, %rem3A_311 : i32
      %mul3A_322 = arith.constant 16384 : i32
      %mul3A_323 = arith.muli %select_n3A_305, %mul3A_322 : i32
      %mul3A_324 = arith.constant 2048 : i32
      %mul3A_325 = arith.muli %select_n3A_321, %mul3A_324 : i32
      %add3A_326 = arith.addi %mul3A_323, %mul3A_325 : i32
      %mul3A_327 = arith.constant 32 : i32
      %mul3A_328 = arith.muli %select_n3A_305, %mul3A_327 : i32
      %add3A_329 = vector.broadcast %mul3A_328 : i32 to vector<16xi32>
      %add3A_330 = arith.addi %add3A_329, %broadcast_in_dim3A : vector<16xi32>
      %gather3A_331 = tpu.vector_load_idx %arg15[%add3A_330] : memref<416xf32, #tpu.memory_space<vmem>>[vector<16xi32>], vector<16xf32>,
      %mul3A_332 = arith.constant 32 : i32
      %mul3A_333 = arith.muli %select_n3A_305, %mul3A_332 : i32
      %add3A_334 = vector.broadcast %mul3A_333 : i32 to vector<16xi32>
      %add3A_335 = arith.addi %add3A_334, %broadcast_in_dim3A : vector<16xi32>
      %gather3A_336 = tpu.vector_load_idx %arg16[%add3A_335] : memref<416xf32, #tpu.memory_space<vmem>>[vector<16xi32>], vector<16xf32>,
      %mul3A_337 = arith.constant 32 : i32
      %mul3A_338 = arith.muli %select_n3A_305, %mul3A_337 : i32
      %add3A_339 = arith.addi %mul3A_338, %add3A : i32
      %mul3A_340 = arith.constant 2048 : i32
      %mul3A_341 = arith.muli %select_n3A_321, %mul3A_340 : i32
      %dma_wait3A_342 = tpu.memref_slice %arg4[%add3A_326] : memref<212992xf32, #tpu.memory_space<hbm>> -> memref<2048xf32, #tpu.memory_space<hbm>>
      %dma_wait3A_343 = tpu.memref_slice %arg4[%add3A_326] : memref<212992xf32, #tpu.memory_space<hbm>> -> memref<2048xf32, #tpu.memory_space<hbm>>
      tpu.wait_dma2 semaphore(%arg23 : memref<!tpu.dma_semaphore, #tpu.memory_space<semaphore_mem>>) src(%dma_wait3A_343 : memref<2048xf32, #tpu.memory_space<hbm>>) dst(%arg14 : memref<2048xf32, #tpu.memory_space<vmem>>)
      %parallel_loop3A_344 = arith.constant 0 : i32
      %parallel_loop3A_345 = arith.constant 2048 : i32
      %parallel_loop3A_346 = arith.constant 16 : i32
      scf.for %parallel_loop3A_666 = %parallel_loop3A_344 to %parallel_loop3A_345 step %parallel_loop3A_346  : i32 {
        %parallel_loop3A_667 = arith.index_cast %parallel_loop3A_666 : i32 to index
        %parallel_loop3A_668 = tpu.vector_load %arg14[%parallel_loop3A_667] {strides = array<i32>} : memref<2048xf32, #tpu.memory_space<vmem>>, vector<16xf32>,
        %parallel_loop3A_669 = arith.mulf %parallel_loop3A_668, %gather3A_331 : vector<16xf32>
        %parallel_loop3A_670 = arith.addf %parallel_loop3A_669, %gather3A_336 : vector<16xf32>
        %parallel_loop3A_671 = arith.index_cast %parallel_loop3A_666 : i32 to index
        %parallel_loop3A_672 = tpu.vector_load %arg14[%parallel_loop3A_671] {strides = array<i32>} : memref<2048xf32, #tpu.memory_space<vmem>>, vector<16xf32>,
        tpu.vector_store %arg14[%parallel_loop3A_671], %parallel_loop3A_670 {strides = array<i32>} : memref<2048xf32, #tpu.memory_space<vmem>>, vector<16xf32>,
      } {sc.loop_unroll_factor = 8 : i64, sc.parallel_access}
      %dma_start3A_347 = tpu.memref_slice %arg7[%add3A_339, %mul3A_341] : memref<1248x16384xf32, #tpu.memory_space<hbm>> -> memref<1x2048xf32, #tpu.memory_space<hbm>>
      %dma_start3A_348 = tpu.memref_squeeze %dma_start3A_347 : memref<1x2048xf32, #tpu.memory_space<hbm>> -> memref<2048xf32, #tpu.memory_space<hbm>>
      %dma_start3A_349 = tpu.memref_slice %arg7[%add3A_339, %mul3A_341] : memref<1248x16384xf32, #tpu.memory_space<hbm>> -> memref<1x2048xf32, #tpu.memory_space<hbm>>
      %dma_start3A_350 = tpu.memref_squeeze %dma_start3A_349 : memref<1x2048xf32, #tpu.memory_space<hbm>> -> memref<2048xf32, #tpu.memory_space<hbm>>
      tpu.enqueue_dma source(%arg14 : memref<2048xf32, #tpu.memory_space<vmem>>) target(%dma_start3A_350 : memref<2048xf32, #tpu.memory_space<hbm>>) target_semaphore(%arg25 : memref<!tpu.dma_semaphore, #tpu.memory_space<semaphore_mem>>)
      %ge3A_351 = arith.constant 1 : i32
      %ge3A_352 = arith.cmpi sge, %add3A_281, %ge3A_351 : i32
      %convert_element_type3A_353 = arith.extui %ge3A_352 : i1 to i32
      %cond3A_354 = arith.constant 0 : i32
      %cond3A_355 = arith.cmpi ne, %convert_element_type3A_353, %cond3A_354 : i32
      scf.if %cond3A_355 {
        %dma_wait3A_666 = tpu.memref_slice %arg7[%add3A_339, %mul3A_341] : memref<1248x16384xf32, #tpu.memory_space<hbm>> -> memref<1x2048xf32, #tpu.memory_space<hbm>>
        %dma_wait3A_667 = tpu.memref_squeeze %dma_wait3A_666 : memref<1x2048xf32, #tpu.memory_space<hbm>> -> memref<2048xf32, #tpu.memory_space<hbm>>
        %dma_wait3A_668 = tpu.memref_slice %arg7[%add3A_339, %mul3A_341] : memref<1248x16384xf32, #tpu.memory_space<hbm>> -> memref<1x2048xf32, #tpu.memory_space<hbm>>
        %dma_wait3A_669 = tpu.memref_squeeze %dma_wait3A_668 : memref<1x2048xf32, #tpu.memory_space<hbm>> -> memref<2048xf32, #tpu.memory_space<hbm>>
        tpu.wait_dma2 semaphore(%arg24 : memref<!tpu.dma_semaphore, #tpu.memory_space<semaphore_mem>>) src(%arg13 : memref<2048xf32, #tpu.memory_space<vmem>>) dst(%dma_wait3A_669 : memref<2048xf32, #tpu.memory_space<hbm>>)
      } else {
      }
      %add3A_356 = arith.constant 1 : i32
      %add3A_357 = arith.addi %add3A_281, %add3A_356 : i32
      %min3A_358 = arith.constant 103 : i32
      %min3A_359 = arith.minsi %add3A_357, %min3A_358 : i32
      %jit3A_360 = arith.constant 8 : i32
      %div3A_361 = arith.divsi %min3A_359, %jit3A_360 : i32
      %sign3A_362 = arith.constant 0 : i32
      %sign3A_363 = arith.cmpi sgt, %min3A_359, %sign3A_362 : i32
      %sign3A_364 = arith.extui %sign3A_363 : i1 to i32
      %sign3A_365 = arith.constant 0 : i32
      %sign3A_366 = arith.cmpi slt, %min3A_359, %sign3A_365 : i32
      %sign3A_367 = arith.extui %sign3A_366 : i1 to i32
      %sign3A_368 = arith.subi %sign3A_364, %sign3A_367 : i32
      %sign3A_369 = arith.constant 0 : i32
      %sign3A_370 = arith.cmpi sgt, %jit3A_360, %sign3A_369 : i32
      %sign3A_371 = arith.extui %sign3A_370 : i1 to i32
      %sign3A_372 = arith.constant 0 : i32
      %sign3A_373 = arith.cmpi slt, %jit3A_360, %sign3A_372 : i32
      %sign3A_374 = arith.extui %sign3A_373 : i1 to i32
      %sign3A_375 = arith.subi %sign3A_371, %sign3A_374 : i32
      %ne3A_376 = arith.cmpi ne, %sign3A_368, %sign3A_375 : i32
      %rem3A_377 = arith.remsi %min3A_359, %jit3A_360 : i32
      %ne3A_378 = arith.constant 0 : i32
      %ne3A_379 = arith.cmpi ne, %rem3A_377, %ne3A_378 : i32
      %and3A_380 = arith.andi %ne3A_376, %ne3A_379 : i1
      %sub3A_381 = arith.constant 1 : i32
      %sub3A_382 = arith.subi %div3A_361, %sub3A_381 : i32
      %select_n3A_383 = arith.select %and3A_380, %sub3A_382, %div3A_361 : i32
      %jit3A_384 = arith.constant 8 : i32
      %eq3A_385 = arith.constant 0 : i32
      %eq3A_386 = arith.cmpi eq, %jit3A_384, %eq3A_385 : i32
      %jit3A_387 = arith.constant 1 : i32
      %select_n3A_388 = arith.select %eq3A_386, %jit3A_387, %jit3A_384 : i32
      %rem3A_389 = arith.remsi %min3A_359, %select_n3A_388 : i32
      %ne3A_390 = arith.constant 0 : i32
      %ne3A_391 = arith.cmpi ne, %rem3A_389, %ne3A_390 : i32
      %lt3A_392 = arith.constant 0 : i32
      %lt3A_393 = arith.cmpi slt, %rem3A_389, %lt3A_392 : i32
      %lt3A_394 = arith.constant 0 : i32
      %lt3A_395 = arith.cmpi slt, %select_n3A_388, %lt3A_394 : i32
      %ne3A_396 = arith.xori %lt3A_393, %lt3A_395 : i1
      %and3A_397 = arith.andi %ne3A_396, %ne3A_391 : i1
      %add3A_398 = arith.addi %rem3A_389, %select_n3A_388 : i32
      %select_n3A_399 = arith.select %and3A_397, %add3A_398, %rem3A_389 : i32
      %mul3A_400 = arith.constant 16384 : i32
      %mul3A_401 = arith.muli %select_n3A_383, %mul3A_400 : i32
      %mul3A_402 = arith.constant 2048 : i32
      %mul3A_403 = arith.muli %select_n3A_399, %mul3A_402 : i32
      %add3A_404 = arith.addi %mul3A_401, %mul3A_403 : i32
      %dma_start3A_405 = tpu.memref_slice %arg4[%add3A_404] : memref<212992xf32, #tpu.memory_space<hbm>> -> memref<2048xf32, #tpu.memory_space<hbm>>
      %dma_start3A_406 = tpu.memref_slice %arg4[%add3A_404] : memref<212992xf32, #tpu.memory_space<hbm>> -> memref<2048xf32, #tpu.memory_space<hbm>>
      tpu.enqueue_dma source(%dma_start3A_406 : memref<2048xf32, #tpu.memory_space<hbm>>) target(%arg13 : memref<2048xf32, #tpu.memory_space<vmem>>) target_semaphore(%arg22 : memref<!tpu.dma_semaphore, #tpu.memory_space<semaphore_mem>>)
      %mul3A_407 = arith.constant 4 : i32
      %mul3A_408 = arith.muli %scan3A_57, %mul3A_407 : i32
      %add3A_409 = arith.constant 2 : i32
      %add3A_410 = arith.addi %mul3A_408, %add3A_409 : i32
      %jit3A_411 = arith.constant 8 : i32
      %div3A_412 = arith.divsi %add3A_410, %jit3A_411 : i32
      %sign3A_413 = arith.constant 0 : i32
      %sign3A_414 = arith.cmpi sgt, %add3A_410, %sign3A_413 : i32
      %sign3A_415 = arith.extui %sign3A_414 : i1 to i32
      %sign3A_416 = arith.constant 0 : i32
      %sign3A_417 = arith.cmpi slt, %add3A_410, %sign3A_416 : i32
      %sign3A_418 = arith.extui %sign3A_417 : i1 to i32
      %sign3A_419 = arith.subi %sign3A_415, %sign3A_418 : i32
      %sign3A_420 = arith.constant 0 : i32
      %sign3A_421 = arith.cmpi sgt, %jit3A_411, %sign3A_420 : i32
      %sign3A_422 = arith.extui %sign3A_421 : i1 to i32
      %sign3A_423 = arith.constant 0 : i32
      %sign3A_424 = arith.cmpi slt, %jit3A_411, %sign3A_423 : i32
      %sign3A_425 = arith.extui %sign3A_424 : i1 to i32
      %sign3A_426 = arith.subi %sign3A_422, %sign3A_425 : i32
      %ne3A_427 = arith.cmpi ne, %sign3A_419, %sign3A_426 : i32
      %rem3A_428 = arith.remsi %add3A_410, %jit3A_411 : i32
      %ne3A_429 = arith.constant 0 : i32
      %ne3A_430 = arith.cmpi ne, %rem3A_428, %ne3A_429 : i32
      %and3A_431 = arith.andi %ne3A_427, %ne3A_430 : i1
      %sub3A_432 = arith.constant 1 : i32
      %sub3A_433 = arith.subi %div3A_412, %sub3A_432 : i32
      %select_n3A_434 = arith.select %and3A_431, %sub3A_433, %div3A_412 : i32
      %jit3A_435 = arith.constant 8 : i32
      %eq3A_436 = arith.constant 0 : i32
      %eq3A_437 = arith.cmpi eq, %jit3A_435, %eq3A_436 : i32
      %jit3A_438 = arith.constant 1 : i32
      %select_n3A_439 = arith.select %eq3A_437, %jit3A_438, %jit3A_435 : i32
      %rem3A_440 = arith.remsi %add3A_410, %select_n3A_439 : i32
      %ne3A_441 = arith.constant 0 : i32
      %ne3A_442 = arith.cmpi ne, %rem3A_440, %ne3A_441 : i32
      %lt3A_443 = arith.constant 0 : i32
      %lt3A_444 = arith.cmpi slt, %rem3A_440, %lt3A_443 : i32
      %lt3A_445 = arith.constant 0 : i32
      %lt3A_446 = arith.cmpi slt, %select_n3A_439, %lt3A_445 : i32
      %ne3A_447 = arith.xori %lt3A_444, %lt3A_446 : i1
      %and3A_448 = arith.andi %ne3A_447, %ne3A_442 : i1
      %add3A_449 = arith.addi %rem3A_440, %select_n3A_439 : i32
      %select_n3A_450 = arith.select %and3A_448, %add3A_449, %rem3A_440 : i32
      %mul3A_451 = arith.constant 16384 : i32
      %mul3A_452 = arith.muli %select_n3A_434, %mul3A_451 : i32
      %mul3A_453 = arith.constant 2048 : i32
      %mul3A_454 = arith.muli %select_n3A_450, %mul3A_453 : i32
      %add3A_455 = arith.addi %mul3A_452, %mul3A_454 : i32
      %mul3A_456 = arith.constant 32 : i32
      %mul3A_457 = arith.muli %select_n3A_434, %mul3A_456 : i32
      %add3A_458 = vector.broadcast %mul3A_457 : i32 to vector<16xi32>
      %add3A_459 = arith.addi %add3A_458, %broadcast_in_dim3A : vector<16xi32>
      %gather3A_460 = tpu.vector_load_idx %arg15[%add3A_459] : memref<416xf32, #tpu.memory_space<vmem>>[vector<16xi32>], vector<16xf32>,
      %mul3A_461 = arith.constant 32 : i32
      %mul3A_462 = arith.muli %select_n3A_434, %mul3A_461 : i32
      %add3A_463 = vector.broadcast %mul3A_462 : i32 to vector<16xi32>
      %add3A_464 = arith.addi %add3A_463, %broadcast_in_dim3A : vector<16xi32>
      %gather3A_465 = tpu.vector_load_idx %arg16[%add3A_464] : memref<416xf32, #tpu.memory_space<vmem>>[vector<16xi32>], vector<16xf32>,
      %mul3A_466 = arith.constant 32 : i32
      %mul3A_467 = arith.muli %select_n3A_434, %mul3A_466 : i32
      %add3A_468 = arith.addi %mul3A_467, %add3A : i32
      %mul3A_469 = arith.constant 2048 : i32
      %mul3A_470 = arith.muli %select_n3A_450, %mul3A_469 : i32
      %dma_wait3A_471 = tpu.memref_slice %arg4[%add3A_455] : memref<212992xf32, #tpu.memory_space<hbm>> -> memref<2048xf32, #tpu.memory_space<hbm>>
      %dma_wait3A_472 = tpu.memref_slice %arg4[%add3A_455] : memref<212992xf32, #tpu.memory_space<hbm>> -> memref<2048xf32, #tpu.memory_space<hbm>>
      tpu.wait_dma2 semaphore(%arg22 : memref<!tpu.dma_semaphore, #tpu.memory_space<semaphore_mem>>) src(%dma_wait3A_472 : memref<2048xf32, #tpu.memory_space<hbm>>) dst(%arg13 : memref<2048xf32, #tpu.memory_space<vmem>>)
      %parallel_loop3A_473 = arith.constant 0 : i32
      %parallel_loop3A_474 = arith.constant 2048 : i32
      %parallel_loop3A_475 = arith.constant 16 : i32
      scf.for %parallel_loop3A_666 = %parallel_loop3A_473 to %parallel_loop3A_474 step %parallel_loop3A_475  : i32 {
        %parallel_loop3A_667 = arith.index_cast %parallel_loop3A_666 : i32 to index
        %parallel_loop3A_668 = tpu.vector_load %arg13[%parallel_loop3A_667] {strides = array<i32>} : memref<2048xf32, #tpu.memory_space<vmem>>, vector<16xf32>,
        %parallel_loop3A_669 = arith.mulf %parallel_loop3A_668, %gather3A_460 : vector<16xf32>
        %parallel_loop3A_670 = arith.addf %parallel_loop3A_669, %gather3A_465 : vector<16xf32>
        %parallel_loop3A_671 = arith.index_cast %parallel_loop3A_666 : i32 to index
        %parallel_loop3A_672 = tpu.vector_load %arg13[%parallel_loop3A_671] {strides = array<i32>} : memref<2048xf32, #tpu.memory_space<vmem>>, vector<16xf32>,
        tpu.vector_store %arg13[%parallel_loop3A_671], %parallel_loop3A_670 {strides = array<i32>} : memref<2048xf32, #tpu.memory_space<vmem>>, vector<16xf32>,
      } {sc.loop_unroll_factor = 8 : i64, sc.parallel_access}
      %dma_start3A_476 = tpu.memref_slice %arg7[%add3A_468, %mul3A_470] : memref<1248x16384xf32, #tpu.memory_space<hbm>> -> memref<1x2048xf32, #tpu.memory_space<hbm>>
      %dma_start3A_477 = tpu.memref_squeeze %dma_start3A_476 : memref<1x2048xf32, #tpu.memory_space<hbm>> -> memref<2048xf32, #tpu.memory_space<hbm>>
      %dma_start3A_478 = tpu.memref_slice %arg7[%add3A_468, %mul3A_470] : memref<1248x16384xf32, #tpu.memory_space<hbm>> -> memref<1x2048xf32, #tpu.memory_space<hbm>>
      %dma_start3A_479 = tpu.memref_squeeze %dma_start3A_478 : memref<1x2048xf32, #tpu.memory_space<hbm>> -> memref<2048xf32, #tpu.memory_space<hbm>>
      tpu.enqueue_dma source(%arg13 : memref<2048xf32, #tpu.memory_space<vmem>>) target(%dma_start3A_479 : memref<2048xf32, #tpu.memory_space<hbm>>) target_semaphore(%arg24 : memref<!tpu.dma_semaphore, #tpu.memory_space<semaphore_mem>>)
      %ge3A_480 = arith.constant 1 : i32
      %ge3A_481 = arith.cmpi sge, %add3A_410, %ge3A_480 : i32
      %convert_element_type3A_482 = arith.extui %ge3A_481 : i1 to i32
      %cond3A_483 = arith.constant 0 : i32
      %cond3A_484 = arith.cmpi ne, %convert_element_type3A_482, %cond3A_483 : i32
      scf.if %cond3A_484 {
        %dma_wait3A_666 = tpu.memref_slice %arg7[%add3A_468, %mul3A_470] : memref<1248x16384xf32, #tpu.memory_space<hbm>> -> memref<1x2048xf32, #tpu.memory_space<hbm>>
        %dma_wait3A_667 = tpu.memref_squeeze %dma_wait3A_666 : memref<1x2048xf32, #tpu.memory_space<hbm>> -> memref<2048xf32, #tpu.memory_space<hbm>>
        %dma_wait3A_668 = tpu.memref_slice %arg7[%add3A_468, %mul3A_470] : memref<1248x16384xf32, #tpu.memory_space<hbm>> -> memref<1x2048xf32, #tpu.memory_space<hbm>>
        %dma_wait3A_669 = tpu.memref_squeeze %dma_wait3A_668 : memref<1x2048xf32, #tpu.memory_space<hbm>> -> memref<2048xf32, #tpu.memory_space<hbm>>
        tpu.wait_dma2 semaphore(%arg25 : memref<!tpu.dma_semaphore, #tpu.memory_space<semaphore_mem>>) src(%arg14 : memref<2048xf32, #tpu.memory_space<vmem>>) dst(%dma_wait3A_669 : memref<2048xf32, #tpu.memory_space<hbm>>)
      } else {
      }
      %add3A_485 = arith.constant 1 : i32
      %add3A_486 = arith.addi %add3A_410, %add3A_485 : i32
      %min3A_487 = arith.constant 103 : i32
      %min3A_488 = arith.minsi %add3A_486, %min3A_487 : i32
      %jit3A_489 = arith.constant 8 : i32
      %div3A_490 = arith.divsi %min3A_488, %jit3A_489 : i32
      %sign3A_491 = arith.constant 0 : i32
      %sign3A_492 = arith.cmpi sgt, %min3A_488, %sign3A_491 : i32
      %sign3A_493 = arith.extui %sign3A_492 : i1 to i32
      %sign3A_494 = arith.constant 0 : i32
      %sign3A_495 = arith.cmpi slt, %min3A_488, %sign3A_494 : i32
      %sign3A_496 = arith.extui %sign3A_495 : i1 to i32
      %sign3A_497 = arith.subi %sign3A_493, %sign3A_496 : i32
      %sign3A_498 = arith.constant 0 : i32
      %sign3A_499 = arith.cmpi sgt, %jit3A_489, %sign3A_498 : i32
      %sign3A_500 = arith.extui %sign3A_499 : i1 to i32
      %sign3A_501 = arith.constant 0 : i32
      %sign3A_502 = arith.cmpi slt, %jit3A_489, %sign3A_501 : i32
      %sign3A_503 = arith.extui %sign3A_502 : i1 to i32
      %sign3A_504 = arith.subi %sign3A_500, %sign3A_503 : i32
      %ne3A_505 = arith.cmpi ne, %sign3A_497, %sign3A_504 : i32
      %rem3A_506 = arith.remsi %min3A_488, %jit3A_489 : i32
      %ne3A_507 = arith.constant 0 : i32
      %ne3A_508 = arith.cmpi ne, %rem3A_506, %ne3A_507 : i32
      %and3A_509 = arith.andi %ne3A_505, %ne3A_508 : i1
      %sub3A_510 = arith.constant 1 : i32
      %sub3A_511 = arith.subi %div3A_490, %sub3A_510 : i32
      %select_n3A_512 = arith.select %and3A_509, %sub3A_511, %div3A_490 : i32
      %jit3A_513 = arith.constant 8 : i32
      %eq3A_514 = arith.constant 0 : i32
      %eq3A_515 = arith.cmpi eq, %jit3A_513, %eq3A_514 : i32
      %jit3A_516 = arith.constant 1 : i32
      %select_n3A_517 = arith.select %eq3A_515, %jit3A_516, %jit3A_513 : i32
      %rem3A_518 = arith.remsi %min3A_488, %select_n3A_517 : i32
      %ne3A_519 = arith.constant 0 : i32
      %ne3A_520 = arith.cmpi ne, %rem3A_518, %ne3A_519 : i32
      %lt3A_521 = arith.constant 0 : i32
      %lt3A_522 = arith.cmpi slt, %rem3A_518, %lt3A_521 : i32
      %lt3A_523 = arith.constant 0 : i32
      %lt3A_524 = arith.cmpi slt, %select_n3A_517, %lt3A_523 : i32
      %ne3A_525 = arith.xori %lt3A_522, %lt3A_524 : i1
      %and3A_526 = arith.andi %ne3A_525, %ne3A_520 : i1
      %add3A_527 = arith.addi %rem3A_518, %select_n3A_517 : i32
      %select_n3A_528 = arith.select %and3A_526, %add3A_527, %rem3A_518 : i32
      %mul3A_529 = arith.constant 16384 : i32
      %mul3A_530 = arith.muli %select_n3A_512, %mul3A_529 : i32
      %mul3A_531 = arith.constant 2048 : i32
      %mul3A_532 = arith.muli %select_n3A_528, %mul3A_531 : i32
      %add3A_533 = arith.addi %mul3A_530, %mul3A_532 : i32
      %dma_start3A_534 = tpu.memref_slice %arg4[%add3A_533] : memref<212992xf32, #tpu.memory_space<hbm>> -> memref<2048xf32, #tpu.memory_space<hbm>>
      %dma_start3A_535 = tpu.memref_slice %arg4[%add3A_533] : memref<212992xf32, #tpu.memory_space<hbm>> -> memref<2048xf32, #tpu.memory_space<hbm>>
      tpu.enqueue_dma source(%dma_start3A_535 : memref<2048xf32, #tpu.memory_space<hbm>>) target(%arg14 : memref<2048xf32, #tpu.memory_space<vmem>>) target_semaphore(%arg23 : memref<!tpu.dma_semaphore, #tpu.memory_space<semaphore_mem>>)
      %mul3A_536 = arith.constant 4 : i32
      %mul3A_537 = arith.muli %scan3A_57, %mul3A_536 : i32
      %add3A_538 = arith.constant 3 : i32
      %add3A_539 = arith.addi %mul3A_537, %add3A_538 : i32
      %jit3A_540 = arith.constant 8 : i32
      %div3A_541 = arith.divsi %add3A_539, %jit3A_540 : i32
      %sign3A_542 = arith.constant 0 : i32
      %sign3A_543 = arith.cmpi sgt, %add3A_539, %sign3A_542 : i32
      %sign3A_544 = arith.extui %sign3A_543 : i1 to i32
      %sign3A_545 = arith.constant 0 : i32
      %sign3A_546 = arith.cmpi slt, %add3A_539, %sign3A_545 : i32
      %sign3A_547 = arith.extui %sign3A_546 : i1 to i32
      %sign3A_548 = arith.subi %sign3A_544, %sign3A_547 : i32
      %sign3A_549 = arith.constant 0 : i32
      %sign3A_550 = arith.cmpi sgt, %jit3A_540, %sign3A_549 : i32
      %sign3A_551 = arith.extui %sign3A_550 : i1 to i32
      %sign3A_552 = arith.constant 0 : i32
      %sign3A_553 = arith.cmpi slt, %jit3A_540, %sign3A_552 : i32
      %sign3A_554 = arith.extui %sign3A_553 : i1 to i32
      %sign3A_555 = arith.subi %sign3A_551, %sign3A_554 : i32
      %ne3A_556 = arith.cmpi ne, %sign3A_548, %sign3A_555 : i32
      %rem3A_557 = arith.remsi %add3A_539, %jit3A_540 : i32
      %ne3A_558 = arith.constant 0 : i32
      %ne3A_559 = arith.cmpi ne, %rem3A_557, %ne3A_558 : i32
      %and3A_560 = arith.andi %ne3A_556, %ne3A_559 : i1
      %sub3A_561 = arith.constant 1 : i32
      %sub3A_562 = arith.subi %div3A_541, %sub3A_561 : i32
      %select_n3A_563 = arith.select %and3A_560, %sub3A_562, %div3A_541 : i32
      %jit3A_564 = arith.constant 8 : i32
      %eq3A_565 = arith.constant 0 : i32
      %eq3A_566 = arith.cmpi eq, %jit3A_564, %eq3A_565 : i32
      %jit3A_567 = arith.constant 1 : i32
      %select_n3A_568 = arith.select %eq3A_566, %jit3A_567, %jit3A_564 : i32
      %rem3A_569 = arith.remsi %add3A_539, %select_n3A_568 : i32
      %ne3A_570 = arith.constant 0 : i32
      %ne3A_571 = arith.cmpi ne, %rem3A_569, %ne3A_570 : i32
      %lt3A_572 = arith.constant 0 : i32
      %lt3A_573 = arith.cmpi slt, %rem3A_569, %lt3A_572 : i32
      %lt3A_574 = arith.constant 0 : i32
      %lt3A_575 = arith.cmpi slt, %select_n3A_568, %lt3A_574 : i32
      %ne3A_576 = arith.xori %lt3A_573, %lt3A_575 : i1
      %and3A_577 = arith.andi %ne3A_576, %ne3A_571 : i1
      %add3A_578 = arith.addi %rem3A_569, %select_n3A_568 : i32
      %select_n3A_579 = arith.select %and3A_577, %add3A_578, %rem3A_569 : i32
      %mul3A_580 = arith.constant 16384 : i32
      %mul3A_581 = arith.muli %select_n3A_563, %mul3A_580 : i32
      %mul3A_582 = arith.constant 2048 : i32
      %mul3A_583 = arith.muli %select_n3A_579, %mul3A_582 : i32
      %add3A_584 = arith.addi %mul3A_581, %mul3A_583 : i32
      %mul3A_585 = arith.constant 32 : i32
      %mul3A_586 = arith.muli %select_n3A_563, %mul3A_585 : i32
      %add3A_587 = vector.broadcast %mul3A_586 : i32 to vector<16xi32>
      %add3A_588 = arith.addi %add3A_587, %broadcast_in_dim3A : vector<16xi32>
      %gather3A_589 = tpu.vector_load_idx %arg15[%add3A_588] : memref<416xf32, #tpu.memory_space<vmem>>[vector<16xi32>], vector<16xf32>,
      %mul3A_590 = arith.constant 32 : i32
      %mul3A_591 = arith.muli %select_n3A_563, %mul3A_590 : i32
      %add3A_592 = vector.broadcast %mul3A_591 : i32 to vector<16xi32>
      %add3A_593 = arith.addi %add3A_592, %broadcast_in_dim3A : vector<16xi32>
      %gather3A_594 = tpu.vector_load_idx %arg16[%add3A_593] : memref<416xf32, #tpu.memory_space<vmem>>[vector<16xi32>], vector<16xf32>,
      %mul3A_595 = arith.constant 32 : i32
      %mul3A_596 = arith.muli %select_n3A_563, %mul3A_595 : i32
      %add3A_597 = arith.addi %mul3A_596, %add3A : i32
      %mul3A_598 = arith.constant 2048 : i32
      %mul3A_599 = arith.muli %select_n3A_579, %mul3A_598 : i32
      %dma_wait3A_600 = tpu.memref_slice %arg4[%add3A_584] : memref<212992xf32, #tpu.memory_space<hbm>> -> memref<2048xf32, #tpu.memory_space<hbm>>
      %dma_wait3A_601 = tpu.memref_slice %arg4[%add3A_584] : memref<212992xf32, #tpu.memory_space<hbm>> -> memref<2048xf32, #tpu.memory_space<hbm>>
      tpu.wait_dma2 semaphore(%arg23 : memref<!tpu.dma_semaphore, #tpu.memory_space<semaphore_mem>>) src(%dma_wait3A_601 : memref<2048xf32, #tpu.memory_space<hbm>>) dst(%arg14 : memref<2048xf32, #tpu.memory_space<vmem>>)
      %parallel_loop3A_602 = arith.constant 0 : i32
      %parallel_loop3A_603 = arith.constant 2048 : i32
      %parallel_loop3A_604 = arith.constant 16 : i32
      scf.for %parallel_loop3A_666 = %parallel_loop3A_602 to %parallel_loop3A_603 step %parallel_loop3A_604  : i32 {
        %parallel_loop3A_667 = arith.index_cast %parallel_loop3A_666 : i32 to index
        %parallel_loop3A_668 = tpu.vector_load %arg14[%parallel_loop3A_667] {strides = array<i32>} : memref<2048xf32, #tpu.memory_space<vmem>>, vector<16xf32>,
        %parallel_loop3A_669 = arith.mulf %parallel_loop3A_668, %gather3A_589 : vector<16xf32>
        %parallel_loop3A_670 = arith.addf %parallel_loop3A_669, %gather3A_594 : vector<16xf32>
        %parallel_loop3A_671 = arith.index_cast %parallel_loop3A_666 : i32 to index
        %parallel_loop3A_672 = tpu.vector_load %arg14[%parallel_loop3A_671] {strides = array<i32>} : memref<2048xf32, #tpu.memory_space<vmem>>, vector<16xf32>,
        tpu.vector_store %arg14[%parallel_loop3A_671], %parallel_loop3A_670 {strides = array<i32>} : memref<2048xf32, #tpu.memory_space<vmem>>, vector<16xf32>,
      } {sc.loop_unroll_factor = 8 : i64, sc.parallel_access}
      %dma_start3A_605 = tpu.memref_slice %arg7[%add3A_597, %mul3A_599] : memref<1248x16384xf32, #tpu.memory_space<hbm>> -> memref<1x2048xf32, #tpu.memory_space<hbm>>
      %dma_start3A_606 = tpu.memref_squeeze %dma_start3A_605 : memref<1x2048xf32, #tpu.memory_space<hbm>> -> memref<2048xf32, #tpu.memory_space<hbm>>
      %dma_start3A_607 = tpu.memref_slice %arg7[%add3A_597, %mul3A_599] : memref<1248x16384xf32, #tpu.memory_space<hbm>> -> memref<1x2048xf32, #tpu.memory_space<hbm>>
      %dma_start3A_608 = tpu.memref_squeeze %dma_start3A_607 : memref<1x2048xf32, #tpu.memory_space<hbm>> -> memref<2048xf32, #tpu.memory_space<hbm>>
      tpu.enqueue_dma source(%arg14 : memref<2048xf32, #tpu.memory_space<vmem>>) target(%dma_start3A_608 : memref<2048xf32, #tpu.memory_space<hbm>>) target_semaphore(%arg25 : memref<!tpu.dma_semaphore, #tpu.memory_space<semaphore_mem>>)
      %ge3A_609 = arith.constant 1 : i32
      %ge3A_610 = arith.cmpi sge, %add3A_539, %ge3A_609 : i32
      %convert_element_type3A_611 = arith.extui %ge3A_610 : i1 to i32
      %cond3A_612 = arith.constant 0 : i32
      %cond3A_613 = arith.cmpi ne, %convert_element_type3A_611, %cond3A_612 : i32
      scf.if %cond3A_613 {
        %dma_wait3A_666 = tpu.memref_slice %arg7[%add3A_597, %mul3A_599] : memref<1248x16384xf32, #tpu.memory_space<hbm>> -> memref<1x2048xf32, #tpu.memory_space<hbm>>
        %dma_wait3A_667 = tpu.memref_squeeze %dma_wait3A_666 : memref<1x2048xf32, #tpu.memory_space<hbm>> -> memref<2048xf32, #tpu.memory_space<hbm>>
        %dma_wait3A_668 = tpu.memref_slice %arg7[%add3A_597, %mul3A_599] : memref<1248x16384xf32, #tpu.memory_space<hbm>> -> memref<1x2048xf32, #tpu.memory_space<hbm>>
        %dma_wait3A_669 = tpu.memref_squeeze %dma_wait3A_668 : memref<1x2048xf32, #tpu.memory_space<hbm>> -> memref<2048xf32, #tpu.memory_space<hbm>>
        tpu.wait_dma2 semaphore(%arg24 : memref<!tpu.dma_semaphore, #tpu.memory_space<semaphore_mem>>) src(%arg13 : memref<2048xf32, #tpu.memory_space<vmem>>) dst(%dma_wait3A_669 : memref<2048xf32, #tpu.memory_space<hbm>>)
      } else {
      }
      %add3A_614 = arith.constant 1 : i32
      %add3A_615 = arith.addi %add3A_539, %add3A_614 : i32
      %min3A_616 = arith.constant 103 : i32
      %min3A_617 = arith.minsi %add3A_615, %min3A_616 : i32
      %jit3A_618 = arith.constant 8 : i32
      %div3A_619 = arith.divsi %min3A_617, %jit3A_618 : i32
      %sign3A_620 = arith.constant 0 : i32
      %sign3A_621 = arith.cmpi sgt, %min3A_617, %sign3A_620 : i32
      %sign3A_622 = arith.extui %sign3A_621 : i1 to i32
      %sign3A_623 = arith.constant 0 : i32
      %sign3A_624 = arith.cmpi slt, %min3A_617, %sign3A_623 : i32
      %sign3A_625 = arith.extui %sign3A_624 : i1 to i32
      %sign3A_626 = arith.subi %sign3A_622, %sign3A_625 : i32
      %sign3A_627 = arith.constant 0 : i32
      %sign3A_628 = arith.cmpi sgt, %jit3A_618, %sign3A_627 : i32
      %sign3A_629 = arith.extui %sign3A_628 : i1 to i32
      %sign3A_630 = arith.constant 0 : i32
      %sign3A_631 = arith.cmpi slt, %jit3A_618, %sign3A_630 : i32
      %sign3A_632 = arith.extui %sign3A_631 : i1 to i32
      %sign3A_633 = arith.subi %sign3A_629, %sign3A_632 : i32
      %ne3A_634 = arith.cmpi ne, %sign3A_626, %sign3A_633 : i32
      %rem3A_635 = arith.remsi %min3A_617, %jit3A_618 : i32
      %ne3A_636 = arith.constant 0 : i32
      %ne3A_637 = arith.cmpi ne, %rem3A_635, %ne3A_636 : i32
      %and3A_638 = arith.andi %ne3A_634, %ne3A_637 : i1
      %sub3A_639 = arith.constant 1 : i32
      %sub3A_640 = arith.subi %div3A_619, %sub3A_639 : i32
      %select_n3A_641 = arith.select %and3A_638, %sub3A_640, %div3A_619 : i32
      %jit3A_642 = arith.constant 8 : i32
      %eq3A_643 = arith.constant 0 : i32
      %eq3A_644 = arith.cmpi eq, %jit3A_642, %eq3A_643 : i32
      %jit3A_645 = arith.constant 1 : i32
      %select_n3A_646 = arith.select %eq3A_644, %jit3A_645, %jit3A_642 : i32
      %rem3A_647 = arith.remsi %min3A_617, %select_n3A_646 : i32
      %ne3A_648 = arith.constant 0 : i32
      %ne3A_649 = arith.cmpi ne, %rem3A_647, %ne3A_648 : i32
      %lt3A_650 = arith.constant 0 : i32
      %lt3A_651 = arith.cmpi slt, %rem3A_647, %lt3A_650 : i32
      %lt3A_652 = arith.constant 0 : i32
      %lt3A_653 = arith.cmpi slt, %select_n3A_646, %lt3A_652 : i32
      %ne3A_654 = arith.xori %lt3A_651, %lt3A_653 : i1
      %and3A_655 = arith.andi %ne3A_654, %ne3A_649 : i1
      %add3A_656 = arith.addi %rem3A_647, %select_n3A_646 : i32
      %select_n3A_657 = arith.select %and3A_655, %add3A_656, %rem3A_647 : i32
      %mul3A_658 = arith.constant 16384 : i32
      %mul3A_659 = arith.muli %select_n3A_641, %mul3A_658 : i32
      %mul3A_660 = arith.constant 2048 : i32
      %mul3A_661 = arith.muli %select_n3A_657, %mul3A_660 : i32
      %add3A_662 = arith.addi %mul3A_659, %mul3A_661 : i32
      %dma_start3A_663 = tpu.memref_slice %arg4[%add3A_662] : memref<212992xf32, #tpu.memory_space<hbm>> -> memref<2048xf32, #tpu.memory_space<hbm>>
      %dma_start3A_664 = tpu.memref_slice %arg4[%add3A_662] : memref<212992xf32, #tpu.memory_space<hbm>> -> memref<2048xf32, #tpu.memory_space<hbm>>
      tpu.enqueue_dma source(%dma_start3A_664 : memref<2048xf32, #tpu.memory_space<hbm>>) target(%arg13 : memref<2048xf32, #tpu.memory_space<vmem>>) target_semaphore(%arg22 : memref<!tpu.dma_semaphore, #tpu.memory_space<semaphore_mem>>)
      %scan3A_665 = arith.constant 0 : i32
      scf.yield %scan3A_665 : i32
    }
    %scan3A_20 = arith.constant 26 : i32
    %add3A_21 = arith.constant 1216 : i32
    %add3A_22 = arith.addi %add3A_21, %add3A : i32
    %dma_wait3A = arith.constant 25 : i32
    %dma_wait3A_23 = arith.constant 0 : i32
    %dma_wait3A_24 = tpu.memref_slice %arg2[%dma_wait3A, %add3A, %dma_wait3A_23] : memref<26x32x100000xf32, #tpu.memory_space<hbm>> -> memref<1x1x100000xf32, #tpu.memory_space<hbm>>
    %dma_wait3A_25 = tpu.memref_squeeze %dma_wait3A_24 : memref<1x1x100000xf32, #tpu.memory_space<hbm>> -> memref<100000xf32, #tpu.memory_space<hbm>>
    %dma_wait3A_26 = arith.constant 0 : i32
    %dma_wait3A_27 = tpu.memref_slice %arg2[%dma_wait3A, %add3A, %dma_wait3A_26] : memref<26x32x100000xf32, #tpu.memory_space<hbm>> -> memref<1x1x100000xf32, #tpu.memory_space<hbm>>
    %dma_wait3A_28 = tpu.memref_squeeze %dma_wait3A_27 : memref<1x1x100000xf32, #tpu.memory_space<hbm>> -> memref<100000xf32, #tpu.memory_space<hbm>>
    tpu.wait_dma2 semaphore(%arg17 : memref<!tpu.dma_semaphore, #tpu.memory_space<semaphore_mem>>) src(%dma_wait3A_28 : memref<100000xf32, #tpu.memory_space<hbm>>) dst(%arg8 : memref<100000xf32, #tpu.memory_space<vmem>>)
    %dma_wait3A_29 = arith.constant 409600 : i32
    %dma_wait3A_30 = tpu.memref_slice %arg3[%dma_wait3A_29] : memref<425984xi32, #tpu.memory_space<hbm>> -> memref<8192xi32, #tpu.memory_space<hbm>>
    %dma_wait3A_31 = arith.constant 409600 : i32
    %dma_wait3A_32 = tpu.memref_slice %arg3[%dma_wait3A_31] : memref<425984xi32, #tpu.memory_space<hbm>> -> memref<8192xi32, #tpu.memory_space<hbm>>
    tpu.wait_dma2 semaphore(%arg18 : memref<!tpu.dma_semaphore, #tpu.memory_space<semaphore_mem>>) src(%dma_wait3A_32 : memref<8192xi32, #tpu.memory_space<hbm>>) dst(%arg9 : memref<8192xi32, #tpu.memory_space<vmem>>)
    %dma_wait3A_33 = arith.constant 8192 : i32
    %dma_wait3A_34 = tpu.memref_slice %arg7[%add3A_22, %dma_wait3A_33] : memref<1248x16384xf32, #tpu.memory_space<hbm>> -> memref<1x4096xf32, #tpu.memory_space<hbm>>
    %dma_wait3A_35 = tpu.memref_squeeze %dma_wait3A_34 : memref<1x4096xf32, #tpu.memory_space<hbm>> -> memref<4096xf32, #tpu.memory_space<hbm>>
    %dma_wait3A_36 = arith.constant 8192 : i32
    %dma_wait3A_37 = tpu.memref_slice %arg7[%add3A_22, %dma_wait3A_36] : memref<1248x16384xf32, #tpu.memory_space<hbm>> -> memref<1x4096xf32, #tpu.memory_space<hbm>>
    %dma_wait3A_38 = tpu.memref_squeeze %dma_wait3A_37 : memref<1x4096xf32, #tpu.memory_space<hbm>> -> memref<4096xf32, #tpu.memory_space<hbm>>
    tpu.wait_dma2 semaphore(%arg20 : memref<!tpu.dma_semaphore, #tpu.memory_space<semaphore_mem>>) src(%arg11 : memref<4096xf32, #tpu.memory_space<vmem>>) dst(%dma_wait3A_38 : memref<4096xf32, #tpu.memory_space<hbm>>)
    %dma_wait3A_39 = arith.constant 12288 : i32
    %dma_wait3A_40 = tpu.memref_slice %arg7[%add3A_22, %dma_wait3A_39] : memref<1248x16384xf32, #tpu.memory_space<hbm>> -> memref<1x4096xf32, #tpu.memory_space<hbm>>
    %dma_wait3A_41 = tpu.memref_squeeze %dma_wait3A_40 : memref<1x4096xf32, #tpu.memory_space<hbm>> -> memref<4096xf32, #tpu.memory_space<hbm>>
    %dma_wait3A_42 = arith.constant 12288 : i32
    %dma_wait3A_43 = tpu.memref_slice %arg7[%add3A_22, %dma_wait3A_42] : memref<1248x16384xf32, #tpu.memory_space<hbm>> -> memref<1x4096xf32, #tpu.memory_space<hbm>>
    %dma_wait3A_44 = tpu.memref_squeeze %dma_wait3A_43 : memref<1x4096xf32, #tpu.memory_space<hbm>> -> memref<4096xf32, #tpu.memory_space<hbm>>
    tpu.wait_dma2 semaphore(%arg21 : memref<!tpu.dma_semaphore, #tpu.memory_space<semaphore_mem>>) src(%arg12 : memref<4096xf32, #tpu.memory_space<vmem>>) dst(%dma_wait3A_44 : memref<4096xf32, #tpu.memory_space<hbm>>)
    %add3A_45 = arith.constant 384 : i32
    %add3A_46 = arith.addi %add3A_45, %add3A : i32
    %dma_wait3A_47 = arith.constant 210944 : i32
    %dma_wait3A_48 = tpu.memref_slice %arg4[%dma_wait3A_47] : memref<212992xf32, #tpu.memory_space<hbm>> -> memref<2048xf32, #tpu.memory_space<hbm>>
    %dma_wait3A_49 = arith.constant 210944 : i32
    %dma_wait3A_50 = tpu.memref_slice %arg4[%dma_wait3A_49] : memref<212992xf32, #tpu.memory_space<hbm>> -> memref<2048xf32, #tpu.memory_space<hbm>>
    tpu.wait_dma2 semaphore(%arg22 : memref<!tpu.dma_semaphore, #tpu.memory_space<semaphore_mem>>) src(%dma_wait3A_50 : memref<2048xf32, #tpu.memory_space<hbm>>) dst(%arg13 : memref<2048xf32, #tpu.memory_space<vmem>>)
    %dma_wait3A_51 = arith.constant 14336 : i32
    %dma_wait3A_52 = tpu.memref_slice %arg7[%add3A_46, %dma_wait3A_51] : memref<1248x16384xf32, #tpu.memory_space<hbm>> -> memref<1x2048xf32, #tpu.memory_space<hbm>>
    %dma_wait3A_53 = tpu.memref_squeeze %dma_wait3A_52 : memref<1x2048xf32, #tpu.memory_space<hbm>> -> memref<2048xf32, #tpu.memory_space<hbm>>
    %dma_wait3A_54 = arith.constant 14336 : i32
    %dma_wait3A_55 = tpu.memref_slice %arg7[%add3A_46, %dma_wait3A_54] : memref<1248x16384xf32, #tpu.memory_space<hbm>> -> memref<1x2048xf32, #tpu.memory_space<hbm>>
    %dma_wait3A_56 = tpu.memref_squeeze %dma_wait3A_55 : memref<1x2048xf32, #tpu.memory_space<hbm>> -> memref<2048xf32, #tpu.memory_space<hbm>>
    tpu.wait_dma2 semaphore(%arg25 : memref<!tpu.dma_semaphore, #tpu.memory_space<semaphore_mem>>) src(%arg14 : memref<2048xf32, #tpu.memory_space<vmem>>) dst(%dma_wait3A_56 : memref<2048xf32, #tpu.memory_space<hbm>>)
    return
  }
}

</mosaic_0001>

<sc_bundles>
// kernel: _run.3.cloned.1.call-start
scs
__scs_entry_jumppad:
0x0: {  	(pc) =	sbr.rel $0x88, $3  }
0x1: {  	(tag) =	ssettag $0x0;
	lr =	simm.s32 $0x1  }
0x2: {  	[smem:$0x3F9C] =	sst lr;
	_ =	strace $0xD0000000  }
0x3: {  	_ = 	snop  }
0x4: {  	_ = 	snop  }
0x5: {  	_ = 	snop  }
0x6: {  	_ = 	snop  }
0x7: {  	_ = 	snop  }
__scs_overlays_trampoline_lowered:
0x8: {  	[smem:$0x3FAB] =	sst s0  }
0x9: {  	[smem:$0x3FAC] =	sst s1  }
0xa: {  	[smem:$0x3FAD] =	sst s2  }
0xb: {  	[smem:$0x3FAE] =	sst s3  }
0xc: {  	[smem:$0x3FAF] =	sst s4  }
0xd: {  	[smem:$0x3FB0] =	sst s5  }
0xe: {  	[smem:$0x3FB1] =	sst s6  }
0xf: {  	[smem:$0x3FB2] =	sst s7  }
0x10: {  	[smem:$0x3FB3] =	sst s8  }
0x11: {  	[smem:$0x3FB4] =	sst s9;
	s0 =	simm.s32 @!p0 $0x0  }
0x12: {  	s1 =	sld [smem:$0x3F9A];
	s0 =	simm.s32 @p0 $0x1  }
0x13: {  	[smem:$0x3FB5] =	sst s0;
	s0 =	simm.s32 @!p1 $0x0  }
0x14: {  	s2 =	sld [smem:$0x3F99];
	s0 =	simm.s32 @p1 $0x1  }
0x15: {  	[smem:$0x3FB6] =	sst s0;
	s0 =	simm.s32 @!p2 $0x0  }
0x16: {  	s3 =	sld [smem:$0x3FDB];
	s0 =	simm.s32 @p2 $0x1  }
0x17: {  	s4 =	simm.s32 $0x1BF5;
	[smem:$0x3FB8] =	sst s0  }
0x18: {  	s0 =	sld [smem:$0x3F9B];
	_ =	swait.ge [sflag:s4], $0x0  }
0x19: {  	s7 =	sld [smem:$0x3F9C]  }
0x1a: {  	s8 =	sadd.s32 $0xFFFFE003, lr  }
0x1b: {  	s9 =	sadd.s32 $0xFFFFFEF7, lr;
	s5 =	simm.s32 $0xFFFFFFFF;
	p2 =	slt.u32 s8, $0xFFFFF086  }
0x1c: {  	p1 =	slt.u32 s9, $0xF7A;
	s5 =	simm.s32 @!p2 $0x0  }
0x1d: {  	s5 =	simm.s32 @p1 $0x1;
	p0 =	seq.s32 s7, s2  }
0x1e: {  	s7 =	smul.u32 @!p0 $0xF7A, s2;
	p2 =	seq.s32 @!p0 s5, $0x0  }
0x1f: {  	s9 =	smul.u32 $0xF7A, s1;
	s8 =	simm.s32 @!p0 $0x1BF5;
	p2 =	por !p2, p0  }
0x20: {  	[sflag:s8] =	ssyncset.s32 @!p0 $0xFFFFF086;
	s6 =	sadd.s32 @!p0 s3, s7;
	s7 =	simm.s32 @!p0 $0x108  }
0x21: {  	s3 =	sadd.s32 s3, s9;
	s6 =	sadd.s32 @!p0 $0x88, s6;
	s7 =	simm.s32 @p2 $0x1082  }
0x22: {  	[simem:s7], [sflag:s8] =	dma.local @!p0 [hbm:s6], $0xF7A  }
0x23: {  	s9 =	sor.u32 $0xD0000000, s2;
	s6 =	simm.s32 $0x108;
	_ =	swait.ge @!p0 [sflag:s8], $0x0  }
0x24: {  	s3 =	sadd.s32 $0x88, s3;
	s6 =	simm.s32 @!p1 $0x1082;
	[sflag:s4] =	ssyncset.s32 $0xFFFFF086  }
0x25: {  	[simem:s6], [sflag:s4] =	dma.local [hbm:s3], $0xF7A  }
0x26: {  	[smem:$0x3F9C] =	sst s1;
	(tag) =	ssettag s2;
	_ =	strace s9  }
0x27: {  	s1 =	sld [smem:$0x3FAC]  }
0x28: {  	s2 =	sld [smem:$0x3FAD]  }
0x29: {  	s4 =	sld [smem:$0x3FAF]  }
0x2a: {  	p0 =	seq.s32 s5, $0x0;
	s5 =	sld [smem:$0x3FB0]  }
0x2b: {  	s6 =	sld [smem:$0x3FB1]  }
0x2c: {  	s7 =	sld [smem:$0x3FB2]  }
0x2d: {  	s3 =	simm.s32 $0x108;
	s8 =	sld [smem:$0x3FB3]  }
0x2e: {  	s3 =	simm.s32 @!p0 $0x1082;
	s9 =	sld [smem:$0x3FB4]  }
0x2f: {  	lr =	sadd.s32 s0, s3;
	s0 =	sld [smem:$0x3FAB]  }
0x30: {  	s3 =	sld [smem:$0x3FAE]  }
0x31: {  	[smem:$0x3FB7] =	sst s10  }
0x32: {  	s10 =	sld [smem:$0x3FB5];
	_ =	sdelay $0x3  }
0x33: {  	p0 =	seq.s32 s10, $0x1;
	s10 =	sld [smem:$0x3FB7];
	_ =	sdelay $0x3  }
0x34: {  	[smem:$0x3FB7] =	sst s10  }
0x35: {  	s10 =	sld [smem:$0x3FB6];
	_ =	sdelay $0x3  }
0x36: {  	p1 =	seq.s32 s10, $0x1;
	s10 =	sld [smem:$0x3FB7];
	_ =	sdelay $0x3  }
0x37: {  	[smem:$0x3FB7] =	sst s10  }
0x38: {  	s10 =	sld [smem:$0x3FB8]  }
0x39: {  	_ = 	snop;
	(pc) =	sbr.ind lr, $3  }
0x3a: {  	_ = 	snop  }
0x3b: {  	_ = 	snop  }
0x3c: {  	p2 =	seq.s32 s10, $0x1;
	s10 =	sld [smem:$0x3FB7]  }
0x3d: {  	_ =	shalt  }
0x3e: {  	_ =	shalt  }
0x3f: {  	_ =	shalt  }
0x40: {  	_ =	shalt  }
0x41: {  	_ =	shalt  }
0x42: {  	_ =	shalt  }
0x43: {  	_ =	shalt  }
0x44: {  	_ =	shalt  }
0x45: {  	_ =	shalt  }
0x46: {  	_ =	shalt  }
0x47: {  	_ =	shalt  }
0x48: {  	_ =	shalt  }
0x49: {  	_ =	shalt  }
0x4a: {  	_ =	shalt  }
0x4b: {  	_ =	shalt  }
0x4c: {  	_ =	shalt  }
0x4d: {  	_ =	shalt  }
0x4e: {  	_ =	shalt  }
0x4f: {  	_ =	shalt  }
0x50: {  	_ =	shalt  }
0x51: {  	_ =	shalt  }
0x52: {  	_ =	shalt  }
0x53: {  	_ =	shalt  }
0x54: {  	_ =	shalt  }
0x55: {  	_ =	shalt  }
0x56: {  	_ =	shalt  }
0x57: {  	_ =	shalt  }
0x58: {  	_ =	shalt  }
0x59: {  	_ =	shalt  }
0x5a: {  	_ =	shalt  }
0x5b: {  	_ =	shalt  }
0x5c: {  	_ =	shalt  }
0x5d: {  	_ =	shalt  }
0x5e: {  	_ =	shalt  }
0x5f: {  	_ =	shalt  }
0x60: {  	_ =	shalt  }
0x61: {  	_ =	shalt  }
0x62: {  	_ =	shalt  }
0x63: {  	_ =	shalt  }
0x64: {  	_ =	shalt  }
0x65: {  	_ =	shalt  }
0x66: {  	_ =	shalt  }
0x67: {  	_ =	shalt  }
0x68: {  	_ =	shalt  }
0x69: {  	_ =	shalt  }
0x6a: {  	_ =	shalt  }
0x6b: {  	_ =	shalt  }
0x6c: {  	_ =	shalt  }
0x6d: {  	_ =	shalt  }
0x6e: {  	_ =	shalt  }
0x6f: {  	_ =	shalt  }
0x70: {  	_ =	shalt  }
0x71: {  	_ =	shalt  }
0x72: {  	_ =	shalt  }
0x73: {  	_ =	shalt  }
0x74: {  	_ =	shalt  }
0x75: {  	_ =	shalt  }
0x76: {  	_ =	shalt  }
0x77: {  	_ =	shalt  }
0x78: {  	_ =	shalt  }
0x79: {  	_ =	shalt  }
0x7a: {  	_ =	shalt  }
0x7b: {  	_ =	shalt  }
0x7c: {  	_ =	shalt  }
0x7d: {  	_ =	shalt  }
0x7e: {  	_ =	shalt  }
0x7f: {  	_ =	shalt  }
0x80: {  	_ =	shalt  }
0x81: {  	_ =	shalt  }
0x82: {  	_ =	shalt  }
0x83: {  	_ =	shalt  }
0x84: {  	_ =	shalt  }
0x85: {  	_ =	shalt  }
0x86: {  	_ =	shalt  }
0x87: {  	_ =	shalt  }
.Lfunc_end0:
.L_simem_size_0:
called_computation_lowered:
.L_overlay_start_0:
0x88: {  	s2 =	sld [smem:$0x3FD9]  }
0x89: {  	s3 =	sld [smem:$0x3FFE];
	_ =	sdelay $0x1  }
0x8a: {  	s1 =	srdreg.scid  }
0x8b: {  	s0 =	sand.u32 $0x1, s1  }
0x8c: {  	s18 =	sshll.u32 s0, $0xA;
	s2 =	sadd.s32 s3, s2  }
0x8d: {  	s2 =	sadd.s32 s2, s18  }
0x8e: {  	[smem:$0x3FC3] =	sst s2  }
0x8f: {  	_ = 	snop  }
0x90: {  	s2 =	sld [smem:$0x3FC9]  }
0x91: {  	s19 =	sld [smem:$0x3FC8]  }
0x92: {  	s4 =	sld [smem:$0x3FC7]  }
0x93: {  	s5 =	sld [smem:$0x3FC6]  }
0x94: {  	s6 =	sld [smem:$0x3FC5]  }
0x95: {  	s7 =	sld [smem:$0x3FD0];
	(tm) =	ssettm $0x1  }
0x96: {  	s8 =	sld [smem:$0x3FFB];
	_ =	sdelay $0x3  }
0x97: {  	_ =	strace s8  }
0x98: {  	s8 =	sld [smem:$0x3FFC];
	_ =	sdelay $0x3  }
0x99: {  	_ =	strace s8  }
0x9a: {  	s8 =	sld [smem:$0x3FFD];
	_ =	sdelay $0x3  }
0x9b: {  	_ =	strace s8  }
0x9c: {  	_ =	strace $0x8FFFFFFF  }
0x9d: {  	s20 =	sld [smem:$0x3FDB];
	_ =	sdelay $0x1  }
0x9e: {  	s9 =	simm.s32 $_scs_section_size  }
0x9f: {  	s10 =	simm.s32 $_size__tile_overlayer_lowered;
	s11 =	simm.s32 $_tile_overlayer_lowered  }
0xa0: {  	s23 =	simm.s32 $0x1BFF;
	s22 =	sshll.u32 s11, $0x1;
	s8 =	sadd.s32 s9, s20  }
0xa1: {  	s12 =	simm.s32 $0x0;
	s21 =	sshll.u32 s10, $0x1;
	s10 =	sadd.s32 s22, s8  }
0xa2: {  	[timem:s12], [sflag:s23] =	dma.local [hbm:s10], s21  }
0xa3: {  	_ =	swait.ge [sflag:s23], s21  }
0xa4: {  	s9 =	ssub.s32 $0x0, s21;
	[sflag:s23] =	ssyncset.done $0x0  }
0xa5: {  	[sflag:s23] =	ssyncadd.s32 s9;
	_ =	sdelay $0x1  }
0xa6: {  	s24 =	simm.s32 $0x1B8B  }
0xa7: {  	_ =	swait.ge [sflag:s24], $0x1  }
0xa8: {  	[sflag:s24] =	ssyncset.done $0x0  }
0xa9: {  	s25 =	simm.s32 $0x1B8E;
	[sflag:s24] =	ssyncadd.s32 $0xFFFFFFFF  }
0xaa: {  	s26 =	simm.s32 $execute0_lowered;
	[smem:$0x3FD2] =	sst s25  }
0xab: {  	s9 =	sshll.u32 s26, $0x1;
	_ =	strace $0x80000046;
	[dreg:$0x1] =	wrdreg $0xFFFFFFFF  }
0xac: {  	s28 =	simm.s32 $_size_execute0_lowered;
	s8 =	sadd.s32 s8, s9;
	[dreg:$0x0] =	wrdreg $0x0  }
0xad: {  	s9 =	sshll.u32 s28, $0x1;
	[dreg:$0x2] =	wrdreg s8  }
0xae: {  	[dreg:$0x3] =	wrdreg s9  }
0xaf: {  	[dreg:$0x4] =	wrdreg $0xC0  }
0xb0: {  	_ =	task [dreg:s12], $0x5FFFF  }
0xb1: {  	[dreg:$0x1] =	wrdreg $0xFFFFFFFF  }
0xb2: {  	[dreg:$0x0] =	wrdreg $0x60  }
0xb3: {  	[dreg:$0x2] =	wrdreg s2  }
0xb4: {  	[dreg:$0x3] =	wrdreg s19  }
0xb5: {  	[dreg:$0x4] =	wrdreg s4  }
0xb6: {  	[dreg:$0x5] =	wrdreg s5  }
0xb7: {  	[dreg:$0x6] =	wrdreg s6  }
0xb8: {  	[dreg:$0x7] =	wrdreg s7  }
0xb9: {  	[dreg:$0x8] =	wrdreg $0x9  }
0xba: {  	_ =	task.clear_ibuf [dreg:s12], $0x9FFFF;
	_ =	strace $0x90000046  }
0xbb: {  	s29 =	simm.s32 $0x9;
	_ =	strace $0x80000048  }
0xbc: {  	_ =	swait.ge [sflag:s29], $0x1  }
0xbd: {  	[sflag:s29] =	ssyncadd.s32 $0xFFFFFFFF  }
0xbe: {  	_ =	strace $0x90000048  }
0xbf: {  	_ =	sfence  }
0xc0: {  	s30 =	sld [smem:$0x0];
	_ =	sdelay $0x2  }
0xc1: {  	s31 =	sshll.u32 s1, $0xD;
	s1 =	sshrl.u32 s1, $0x2  }
0xc2: {  	s3 =	sand.u32 $0x4000, s31;
	s1 =	sadd.s32 s1, s30  }
0xc3: {  	s0 =	sor.u32 s3, s0;
	s1 =	sshll.u32 s1, $0x11  }
0xc4: {  	s0 =	sor.u32 s1, s0  }
0xc5: {  	s0 =	sadd.s32 $0x8F2B, s0  }
0xc6: {  	[sflag:s0] =	ssyncadd.remote.s32 $0x1  }
0xc7: {  	_ =	sfence.sel $0xFFFF  }
0xc8: {  	[dreg:$0x0] =	wrdreg $0xFFFFFFFF;
	(pc) =	sbr.abs _section_cstart, $3  }
0xc9: {  	[dreg:$0x1] =	wrdreg $0xFFFFFFFF  }
0xca: {  	_ =	task.clear_ibuf [dreg:s12], $0x2FFFF;
	_ =	strace $0x9FFFFFFF  }
0xcb: {  	(tm) =	ssettm $0x7FFFFFFF  }
tec
execute0_lowered:
.L_overlay_start_1:
0x0: {  	(tag) =	ssettag $0x1  }
0x1: {  	s4 =	rddreg [dreg:$0x0]  }
0x2: {  	s6 =	rddreg [dreg:$0x1]  }
0x3: {  	s3 =	rddreg [dreg:$0x2]  }
0x4: {  	s0 =	srdreg.scid;
	s5 =	stileid.u32  }
0x5: {  	s7 =	rddreg [dreg:$0x5];
	s10 =	simm.s32 $0x0;
	s29 =	simm.s32 $0x1E700  }
0x6: {  	s30 =	simm.s32 $0x1;
	s31 =	simm.s32 $0x2;
	s13 =	simm.s32 $0x4  }
0x7: {  	s0 =	sand.u32 $0x1, s0;
	s1 =	sshll.u32 s5, $0x1;
	s19 =	sshrl.u32 s5, $0x2  }
0x8: {  	[smem:$0x7FF] =	sst s10;
	s21 =	sadd.s32 $0x400, s6;
	s23 =	sadd.s32 $0x1000, s7  }
0x9: {  	s24 =	sadd.s32 $0x2000, s7;
	s25 =	sadd.s32 $0x3000, s7;
	s26 =	sshll.u32 s5, $0xF  }
0xa: {  	s28 =	sadd.s32 $0x400, s3;
	s6 =	simm.s32 $0x3;
	s8 =	sor.u32 s0, s1  }
0xb: {  	s5 =	simm.s32 $0x9;
	[dreg:$0x7] =	wrdreg s1;
	s2 =	sshll.u32 s8, $0x7  }
0xc: {  	s1 =	smul.u32 $0xC3800, s19;
	s0 =	ssub.s32 $0x2, s0;
	s9 =	sand.u32 $0x380, s2  }
0xd: {  	s20 =	sshrl.u32 s0, $0x1;
	s17 =	smov.u32 s8;
	[dreg:$0x8] =	wrdreg s9  }
0xe: {  	s22 =	sshll.u32 s8, $0x4;
	_ =	strace $0x80000047;
	[dreg:$0xa] =	wrdreg s21  }
0xf: {  	s8 =	simm.s32 $0x7;
	s0 =	ssub.s32 s0, s20;
	[dreg:$0xb] =	wrdreg s23  }
0x10: {  	s20 =	simm.s32 $0x5;
	s2 =	simm.s32 $0x8;
	[dreg:$0xc] =	wrdreg s24  }
0x11: {  	s1 =	sor.u32 s1, s9;
	s0 =	smax.u32 s0, $0x1;
	[dreg:$0xd] =	wrdreg s25  }
0x12: {  	s9 =	simm.s32 $0x0;
	s19 =	smov.u32 s1;
	[dreg:$0xe] =	wrdreg s28  }
0x13: {  	s1 =	sshrl.u32 s1, $0x3;
	[dreg:$0xf] =	wrdreg s0;
	s21 =	sor.u32 $0x680000, s26  }
0x14: {  	s24 =	simm.s32 $0x1F900;
	s25 =	simm.s32 $0x80;
	s26 =	simm.s32 $0x400  }
0x15: {  	s23 =	simm.s32 $0x6;
	s0 =	simm.s32 $0x1EF00;
	s1 =	sadd.s32 s4, s1  }
0x16: {  	s4 =	simm.s32 $0x1D700;
	[dreg:$0x9] =	wrdreg s1;
	s1 =	sand.u32 $0x70, s22  }
0x17: {  	s22 =	simm.s32 $0x1F700;
	s18 =	sadd.s32 s7, s1;
	s1 =	simm.s32 $0x1C700  }
.LBB2_1:
0x18: {  	[dreg:$0x10] =	wrdreg s9  }
0x19: {  	s7 =	rddreg [dreg:$0x3];
	s11 =	simm.s32 $0xA  }
0x1a: {  	[tilespmem:s22], [sflag:$0xA] =	stream.linear.gather [hbm4b:s7+s10], $0x200, $0x38;
	[tilespmem:$0x1FB00] =	vst v63  }
0x1b: {  	_ =	swait.ge [sflag:s11], $0x200  }
0x1c: {  	[sflag:s11] =	ssyncset.done $0x0  }
0x1d: {  	[sflag:s11] =	ssyncadd.s32 $0xFFFFFE00  }
0x1e: {  	s12 =	rddreg [dreg:$0x4]  }
0x1f: {  	[tilespmem:s24], [sflag:$0xA] =	stream.linear.gather [hbm4b:s12+s10], $0x200, $0x38;
	[tilespmem:$0x1FB00] =	vst v63  }
0x20: {  	_ =	swait.ge [sflag:s11], $0x200  }
0x21: {  	[sflag:s11] =	ssyncset.done $0x0  }
0x22: {  	s14 =	rddreg [dreg:$0x9];
	[sflag:s11] =	ssyncadd.s32 $0xFFFFFE00  }
0x23: {  	[tilespmem:s10], [sflag:$0x1] =	stream.strided.gather [hbm4b:s14+s25], $0x18700, s26, s25, $0x38;
	[tilespmem:$0x1FB00] =	vst v63  }
0x24: {  	s16 =	simm.s32 $0x18700;
	s15 =	rddreg [dreg:$0x1]  }
0x25: {  	[tilespmem:s16], [sflag:$0x2] =	stream.linear.gather [hbm4b:s15+s10], $0x2000, $0x38;
	[tilespmem:$0x1FB00] =	vst v63  }
0x26: {  	s28 =	simm.s32 $0x0  }
0x27: {  	[tilespmem:s29], [sflag:$0x6] =	stream.linear.gather [hbm4b:s3+s10], $0x800, $0x38;
	[tilespmem:$0x1FB00] =	vst v63  }
.LBB2_2:
0x28: {  	_ =	swait.ge [sflag:s30], $0x18700  }
0x29: {  	[sflag:s30] =	ssyncset.done $0x0  }
0x2a: {  	[sflag:s30] =	ssyncadd.s32 $0xFFFE7900  }
0x2b: {  	s7 =	sshll.u32 s28, $0xB;
	_ =	swait.ge [sflag:s31], $0x2000  }
0x2c: {  	s15 =	simm.s32 $0x1A700;
	[sflag:s31] =	ssyncset.done $0x0;
	s9 =	rddreg [dreg:$0xa]  }
0x2d: {  	p0 =	seq.s32 s28, $0x0;
	[sflag:s31] =	ssyncadd.s32 $0xFFFFE000;
	s7 =	sadd.s32 s7, s9  }
0x2e: {  	[tilespmem:s15], [sflag:$0x3] =	stream.linear.gather [hbm4b:s7+s10], $0x2000, $0x38;
	[tilespmem:$0x1FB00] =	vst v63  }
0x2f: {  	s7 =	simm.s32 @!p0 $0x4  }
0x30: {  	_ =	swait.ge @!p0 [sflag:s7], $0x1000  }
0x31: {  	[sflag:s7] =	ssyncset.done @!p0 $0x0  }
0x32: {  	s16 =	simm.s32 $0x18780;
	[sflag:s7] =	ssyncadd.s32 @!p0 $0xFFFFF000  }
0x33: {  	v0 =	vld [tilespmem:s16+$0x70]  }
0x34: {  	v1 =	vld [tilespmem:s16+$0xFFFFFF90]  }
0x35: {  	v2 =	vld [tilespmem:s16+$0xFFFFFFA0]  }
0x36: {  	v3 =	vld [tilespmem:s16+$0xFFFFFFB0]  }
0x37: {  	v4 =	vld [tilespmem:s16+$0xFFFFFFC0]  }
0x38: {  	v5 =	vld [tilespmem:s16+$0xFFFFFFD0]  }
0x39: {  	v6 =	vld [tilespmem:s16+$0xFFFFFFE0]  }
0x3a: {  	v7 =	vld [tilespmem:s16+$0xFFFFFFF0]  }
0x3b: {  	v8 =	vld [tilespmem:s16+$0x0]  }
0x3c: {  	v9 =	vld [tilespmem:s16+$0x10]  }
0x3d: {  	v10 =	vld [tilespmem:s16+$0x20]  }
0x3e: {  	v11 =	vld [tilespmem:s16+$0x30]  }
0x3f: {  	v12 =	vld [tilespmem:s16+$0x40]  }
0x40: {  	v13 =	vld [tilespmem:s16+$0x50]  }
0x41: {  	v14 =	vld [tilespmem:s16+$0x60]  }
0x42: {  	v15 =	vld [tilespmem:s16+$0xFFFFFF80]  }
0x43: {  	v0 =	vld.idx.msk [tilespmem:v0+s10+$0x0], $0xffff  }
0x44: {  	v1 =	vld.idx.msk [tilespmem:v1+s10+$0x0], $0xffff  }
0x45: {  	v2 =	vld.idx.msk [tilespmem:v2+s10+$0x0], $0xffff  }
0x46: {  	v3 =	vld.idx.msk [tilespmem:v3+s10+$0x0], $0xffff  }
0x47: {  	v4 =	vld.idx.msk [tilespmem:v4+s10+$0x0], $0xffff  }
0x48: {  	s7 =	simm.s32 $0x1C780;
	v5 =	vld.idx.msk [tilespmem:v5+s10+$0x0], $0xffff  }
0x49: {  	v6 =	vld.idx.msk [tilespmem:v6+s10+$0x0], $0xffff;
	[tilespmem:s7+$0x70] =	vst v0  }
0x4a: {  	v7 =	vld.idx.msk [tilespmem:v7+s10+$0x0], $0xffff;
	[tilespmem:s7+$0xFFFFFF90] =	vst v1  }
0x4b: {  	v15 =	vld.idx.msk [tilespmem:v15+s10+$0x0], $0xffff;
	[tilespmem:s7+$0xFFFFFFA0] =	vst v2  }
0x4c: {  	v8 =	vld.idx.msk [tilespmem:v8+s10+$0x0], $0xffff;
	[tilespmem:s7+$0xFFFFFFB0] =	vst v3  }
0x4d: {  	[tilespmem:s7+$0xFFFFFFC0] =	vst v4;
	v4 =	vld.idx.msk [tilespmem:v9+s10+$0x0], $0xffff  }
0x4e: {  	[tilespmem:s7+$0xFFFFFFD0] =	vst v5;
	v0 =	vld.idx.msk [tilespmem:v10+s10+$0x0], $0xffff  }
0x4f: {  	[tilespmem:s7+$0xFFFFFFE0] =	vst v6;
	v1 =	vld.idx.msk [tilespmem:v11+s10+$0x0], $0xffff  }
0x50: {  	[tilespmem:s7+$0xFFFFFFF0] =	vst v7;
	v2 =	vld.idx.msk [tilespmem:v12+s10+$0x0], $0xffff  }
0x51: {  	[tilespmem:s7+$0xFFFFFF80] =	vst v15;
	v3 =	vld.idx.msk [tilespmem:v13+s10+$0x0], $0xffff  }
0x52: {  	s11 =	simm.s32 $0x18880;
	s9 =	simm.s32 $0x0;
	[tilespmem:s7+$0x0] =	vst v8;
	v5 =	vld.idx.msk [tilespmem:v14+s10+$0x0], $0xffff  }
.LBB2_3:
0x53: {  	v6 =	vld [tilespmem:s11+$0x70];
	s9 =	sadd.s32 $0x100, s9;
	[tilespmem:s7+$0x10] =	vst v4  }
0x54: {  	v4 =	vld [tilespmem:s11+$0xFFFFFF90];
	p1 =	slt.u32 s9, $0xF00;
	[tilespmem:s7+$0x20] =	vst v0  }
0x55: {  	v0 =	vld [tilespmem:s11+$0xFFFFFFA0];
	[tilespmem:s7+$0x30] =	vst v1  }
0x56: {  	v1 =	vld [tilespmem:s11+$0xFFFFFFB0];
	[tilespmem:s7+$0x40] =	vst v2  }
0x57: {  	v2 =	vld [tilespmem:s11+$0xFFFFFFC0];
	[tilespmem:s7+$0x50] =	vst v3  }
0x58: {  	v3 =	vld [tilespmem:s11+$0xFFFFFFD0];
	[tilespmem:s7+$0x60] =	vst v5  }
0x59: {  	v5 =	vld [tilespmem:s11+$0xFFFFFFE0]  }
0x5a: {  	v7 =	vld [tilespmem:s11+$0xFFFFFFF0]  }
0x5b: {  	v6 =	vld.idx.msk [tilespmem:v6+s10+$0x0], $0xffff  }
0x5c: {  	v8 =	vld [tilespmem:s11+$0x0]  }
0x5d: {  	v9 =	vld [tilespmem:s11+$0x10]  }
0x5e: {  	v10 =	vld [tilespmem:s11+$0x20]  }
0x5f: {  	v11 =	vld [tilespmem:s11+$0x30]  }
0x60: {  	s7 =	sadd.s32 $0x100, s7;
	v12 =	vld [tilespmem:s11+$0x40]  }
0x61: {  	v13 =	vld [tilespmem:s11+$0x50];
	[tilespmem:s7+$0x70] =	vst v6  }
0x62: {  	v6 =	vld [tilespmem:s11+$0x60]  }
0x63: {  	v14 =	vld [tilespmem:s11+$0xFFFFFF80]  }
0x64: {  	v4 =	vld.idx.msk [tilespmem:v4+s10+$0x0], $0xffff  }
0x65: {  	v0 =	vld.idx.msk [tilespmem:v0+s10+$0x0], $0xffff  }
0x66: {  	v1 =	vld.idx.msk [tilespmem:v1+s10+$0x0], $0xffff  }
0x67: {  	v2 =	vld.idx.msk [tilespmem:v2+s10+$0x0], $0xffff  }
0x68: {  	v3 =	vld.idx.msk [tilespmem:v3+s10+$0x0], $0xffff  }
0x69: {  	v5 =	vld.idx.msk [tilespmem:v5+s10+$0x0], $0xffff  }
0x6a: {  	[tilespmem:s7+$0xFFFFFF90] =	vst v4;
	v7 =	vld.idx.msk [tilespmem:v7+s10+$0x0], $0xffff  }
0x6b: {  	v14 =	vld.idx.msk [tilespmem:v14+s10+$0x0], $0xffff;
	[tilespmem:s7+$0xFFFFFFA0] =	vst v0  }
0x6c: {  	[tilespmem:s7+$0xFFFFFFB0] =	vst v1;
	v8 =	vld.idx.msk [tilespmem:v8+s10+$0x0], $0xffff  }
0x6d: {  	[tilespmem:s7+$0xFFFFFFC0] =	vst v2;
	v4 =	vld.idx.msk [tilespmem:v9+s10+$0x0], $0xffff  }
.Ltmp0:
0x6e: {  	[tilespmem:s7+$0xFFFFFFD0] =	vst v3;
	v0 =	vld.idx.msk [tilespmem:v10+s10+$0x0], $0xffff;
	(pc) =	sbr.rel @p1 .LBB2_3-.Ltmp0, $4  }
0x6f: {  	[tilespmem:s7+$0xFFFFFFE0] =	vst v5;
	v1 =	vld.idx.msk [tilespmem:v11+s10+$0x0], $0xffff  }
0x70: {  	[tilespmem:s7+$0xFFFFFFF0] =	vst v7;
	v2 =	vld.idx.msk [tilespmem:v12+s10+$0x0], $0xffff  }
0x71: {  	[tilespmem:s7+$0xFFFFFF80] =	vst v14;
	v3 =	vld.idx.msk [tilespmem:v13+s10+$0x0], $0xffff  }
0x72: {  	s11 =	sadd.s32 $0x100, s11;
	[tilespmem:s7+$0x0] =	vst v8;
	v5 =	vld.idx.msk [tilespmem:v6+s10+$0x0], $0xffff  }
0x73: {  	[tilespmem:s7+$0x10] =	vst v4  }
0x74: {  	[tilespmem:s7+$0x20] =	vst v0  }
0x75: {  	s9 =	sshll.u32 s28, $0x13;
	[tilespmem:s7+$0x30] =	vst v1  }
0x76: {  	s9 =	sadd.s32 s21, s9;
	[tilespmem:s7+$0x40] =	vst v2  }
0x77: {  	s9 =	sand.u32 $0x1FE0000, s9;
	s11 =	rddreg [dreg:$0x8]  }
0x78: {  	s9 =	sor.u32 s11, s9  }
0x79: {  	s15 =	rddreg [dreg:$0x5];
	[tilespmem:s7+$0x50] =	vst v3;
	s9 =	sshrl.u32 s9, $0x3  }
0x7a: {  	[tilespmem:s7+$0x60] =	vst v5;
	s7 =	sadd.s32 s15, s9  }
0x7b: {  	[hbm4b:s7+s25] =	stream.strided.scatter [tilespmem:s1], [sflag:$0x4], $0x1000, s26, s25, $0x38;
	[tilespmem:$0x1FB00] =	vst v63  }
0x7c: {  	s7 =	simm.s32 @!p0 $0x5  }
0x7d: {  	_ =	swait.ge @!p0 [sflag:s7], $0x1000  }
0x7e: {  	[sflag:s7] =	ssyncset.done @!p0 $0x0  }
0x7f: {  	s16 =	simm.s32 $0x197F0;
	[sflag:s7] =	ssyncadd.s32 @!p0 $0xFFFFF000  }
0x80: {  	v0 =	vld [tilespmem:s16+$0x0]  }
0x81: {  	v1 =	vld [tilespmem:s16+$0xFFFFFF20]  }
0x82: {  	v2 =	vld [tilespmem:s16+$0xFFFFFF30]  }
0x83: {  	v3 =	vld [tilespmem:s16+$0xFFFFFF40]  }
0x84: {  	v4 =	vld [tilespmem:s16+$0xFFFFFF50]  }
0x85: {  	v5 =	vld [tilespmem:s16+$0xFFFFFF60]  }
0x86: {  	v6 =	vld [tilespmem:s16+$0xFFFFFF70]  }
0x87: {  	v7 =	vld [tilespmem:s16+$0xFFFFFF80]  }
0x88: {  	v8 =	vld [tilespmem:s16+$0xFFFFFF90]  }
0x89: {  	v9 =	vld [tilespmem:s16+$0xFFFFFFA0]  }
0x8a: {  	v10 =	vld [tilespmem:s16+$0xFFFFFFB0]  }
0x8b: {  	v11 =	vld [tilespmem:s16+$0xFFFFFFC0]  }
0x8c: {  	v12 =	vld [tilespmem:s16+$0xFFFFFFD0]  }
0x8d: {  	v13 =	vld [tilespmem:s16+$0xFFFFFFE0]  }
0x8e: {  	v14 =	vld [tilespmem:s16+$0xFFFFFFF0]  }
0x8f: {  	v15 =	vld [tilespmem:s16+$0xFFFFFF10]  }
0x90: {  	v0 =	vld.idx.msk [tilespmem:v0+s10+$0x0], $0xffff  }
0x91: {  	v1 =	vld.idx.msk [tilespmem:v1+s10+$0x0], $0xffff  }
0x92: {  	v2 =	vld.idx.msk [tilespmem:v2+s10+$0x0], $0xffff  }
0x93: {  	v3 =	vld.idx.msk [tilespmem:v3+s10+$0x0], $0xffff  }
0x94: {  	v4 =	vld.idx.msk [tilespmem:v4+s10+$0x0], $0xffff  }
0x95: {  	s7 =	simm.s32 $0x1D780;
	v5 =	vld.idx.msk [tilespmem:v5+s10+$0x0], $0xffff  }
0x96: {  	v6 =	vld.idx.msk [tilespmem:v6+s10+$0x0], $0xffff;
	[tilespmem:s7+$0x70] =	vst v0  }
0x97: {  	v7 =	vld.idx.msk [tilespmem:v7+s10+$0x0], $0xffff;
	[tilespmem:s7+$0xFFFFFF90] =	vst v1  }
0x98: {  	v15 =	vld.idx.msk [tilespmem:v15+s10+$0x0], $0xffff;
	[tilespmem:s7+$0xFFFFFFA0] =	vst v2  }
0x99: {  	v8 =	vld.idx.msk [tilespmem:v8+s10+$0x0], $0xffff;
	[tilespmem:s7+$0xFFFFFFB0] =	vst v3  }
0x9a: {  	[tilespmem:s7+$0xFFFFFFC0] =	vst v4;
	v0 =	vld.idx.msk [tilespmem:v9+s10+$0x0], $0xffff  }
0x9b: {  	[tilespmem:s7+$0xFFFFFFD0] =	vst v5;
	v1 =	vld.idx.msk [tilespmem:v10+s10+$0x0], $0xffff  }
0x9c: {  	[tilespmem:s7+$0xFFFFFFE0] =	vst v6;
	v2 =	vld.idx.msk [tilespmem:v11+s10+$0x0], $0xffff  }
0x9d: {  	[tilespmem:s7+$0xFFFFFFF0] =	vst v7;
	v3 =	vld.idx.msk [tilespmem:v12+s10+$0x0], $0xffff  }
0x9e: {  	[tilespmem:s7+$0xFFFFFF80] =	vst v15;
	v4 =	vld.idx.msk [tilespmem:v13+s10+$0x0], $0xffff  }
0x9f: {  	s12 =	simm.s32 $0x198F0;
	s11 =	simm.s32 $0x0;
	[tilespmem:s7+$0x0] =	vst v8;
	v5 =	vld.idx.msk [tilespmem:v14+s10+$0x0], $0xffff  }
.LBB2_5:
0xa0: {  	v6 =	vld [tilespmem:s12+$0x0];
	s11 =	sadd.s32 $0x100, s11;
	[tilespmem:s7+$0x10] =	vst v0  }
0xa1: {  	v0 =	vld [tilespmem:s12+$0xFFFFFF20];
	p1 =	slt.u32 s11, $0xF00;
	[tilespmem:s7+$0x20] =	vst v1  }
0xa2: {  	v1 =	vld [tilespmem:s12+$0xFFFFFF30];
	[tilespmem:s7+$0x30] =	vst v2  }
0xa3: {  	v2 =	vld [tilespmem:s12+$0xFFFFFF40];
	[tilespmem:s7+$0x40] =	vst v3  }
0xa4: {  	v3 =	vld [tilespmem:s12+$0xFFFFFF50];
	[tilespmem:s7+$0x50] =	vst v4  }
0xa5: {  	v4 =	vld [tilespmem:s12+$0xFFFFFF60];
	[tilespmem:s7+$0x60] =	vst v5  }
0xa6: {  	v5 =	vld [tilespmem:s12+$0xFFFFFF70]  }
0xa7: {  	v7 =	vld [tilespmem:s12+$0xFFFFFF80]  }
0xa8: {  	v6 =	vld.idx.msk [tilespmem:v6+s10+$0x0], $0xffff  }
0xa9: {  	v8 =	vld [tilespmem:s12+$0xFFFFFF90]  }
0xaa: {  	v9 =	vld [tilespmem:s12+$0xFFFFFFA0]  }
0xab: {  	v10 =	vld [tilespmem:s12+$0xFFFFFFB0]  }
0xac: {  	v11 =	vld [tilespmem:s12+$0xFFFFFFC0]  }
0xad: {  	s7 =	sadd.s32 $0x100, s7;
	v12 =	vld [tilespmem:s12+$0xFFFFFFD0]  }
0xae: {  	v13 =	vld [tilespmem:s12+$0xFFFFFFE0];
	[tilespmem:s7+$0x70] =	vst v6  }
0xaf: {  	v6 =	vld [tilespmem:s12+$0xFFFFFFF0]  }
0xb0: {  	v14 =	vld [tilespmem:s12+$0xFFFFFF10]  }
0xb1: {  	v0 =	vld.idx.msk [tilespmem:v0+s10+$0x0], $0xffff  }
0xb2: {  	v1 =	vld.idx.msk [tilespmem:v1+s10+$0x0], $0xffff  }
0xb3: {  	v2 =	vld.idx.msk [tilespmem:v2+s10+$0x0], $0xffff  }
0xb4: {  	v3 =	vld.idx.msk [tilespmem:v3+s10+$0x0], $0xffff  }
0xb5: {  	v4 =	vld.idx.msk [tilespmem:v4+s10+$0x0], $0xffff  }
0xb6: {  	v5 =	vld.idx.msk [tilespmem:v5+s10+$0x0], $0xffff  }
0xb7: {  	[tilespmem:s7+$0xFFFFFF90] =	vst v0;
	v7 =	vld.idx.msk [tilespmem:v7+s10+$0x0], $0xffff  }
0xb8: {  	v14 =	vld.idx.msk [tilespmem:v14+s10+$0x0], $0xffff;
	[tilespmem:s7+$0xFFFFFFA0] =	vst v1  }
0xb9: {  	[tilespmem:s7+$0xFFFFFFB0] =	vst v2;
	v8 =	vld.idx.msk [tilespmem:v8+s10+$0x0], $0xffff  }
0xba: {  	[tilespmem:s7+$0xFFFFFFC0] =	vst v3;
	v0 =	vld.idx.msk [tilespmem:v9+s10+$0x0], $0xffff  }
.Ltmp1:
0xbb: {  	[tilespmem:s7+$0xFFFFFFD0] =	vst v4;
	v1 =	vld.idx.msk [tilespmem:v10+s10+$0x0], $0xffff;
	(pc) =	sbr.rel @p1 .LBB2_5-.Ltmp1, $4  }
0xbc: {  	[tilespmem:s7+$0xFFFFFFE0] =	vst v5;
	v2 =	vld.idx.msk [tilespmem:v11+s10+$0x0], $0xffff  }
0xbd: {  	[tilespmem:s7+$0xFFFFFFF0] =	vst v7;
	v3 =	vld.idx.msk [tilespmem:v12+s10+$0x0], $0xffff  }
0xbe: {  	[tilespmem:s7+$0xFFFFFF80] =	vst v14;
	v4 =	vld.idx.msk [tilespmem:v13+s10+$0x0], $0xffff  }
0xbf: {  	s12 =	sadd.s32 $0x100, s12;
	[tilespmem:s7+$0x0] =	vst v8;
	v5 =	vld.idx.msk [tilespmem:v6+s10+$0x0], $0xffff  }
0xc0: {  	[tilespmem:s7+$0x10] =	vst v0  }
0xc1: {  	[tilespmem:s7+$0x20] =	vst v1  }
0xc2: {  	[tilespmem:s7+$0x30] =	vst v2  }
0xc3: {  	[tilespmem:s7+$0x40] =	vst v3  }
0xc4: {  	[tilespmem:s7+$0x50] =	vst v4  }
0xc5: {  	[tilespmem:s7+$0x60] =	vst v5  }
0xc6: {  	s7 =	rddreg [dreg:$0xb]  }
0xc7: {  	s7 =	sadd.s32 s9, s7  }
0xc8: {  	[hbm4b:s7+s25] =	stream.strided.scatter [tilespmem:s4], [sflag:$0x5], $0x1000, s26, s25, $0x38;
	[tilespmem:$0x1FB00] =	vst v63  }
0xc9: {  	s11 =	sadd.s32 $0x1, s28;
	_ =	swait.ge [sflag:s6], $0x2000  }
0xca: {  	p1 =	slt.s32 s11, $0x19;
	s7 =	smov.u32 s11;
	[sflag:s6] =	ssyncset.done $0x0  }
0xcb: {  	s7 =	simm.s32 @!p1 $0x19;
	[sflag:s6] =	ssyncadd.s32 $0xFFFFE000  }
0xcc: {  	s12 =	sshll.u32 s7, $0xB;
	s14 =	rddreg [dreg:$0x1]  }
0xcd: {  	s16 =	simm.s32 $0x18700;
	s12 =	sadd.s32 s14, s12  }
0xce: {  	[tilespmem:s16], [sflag:$0x2] =	stream.linear.gather [hbm4b:s12+s10], $0x2000, $0x38;
	[tilespmem:$0x1FB00] =	vst v63  }
0xcf: {  	_ =	swait.ge [sflag:s13], $0x1000  }
0xd0: {  	[sflag:s13] =	ssyncset.done $0x0  }
0xd1: {  	s15 =	simm.s32 $0x1A780;
	[sflag:s13] =	ssyncadd.s32 $0xFFFFF000  }
0xd2: {  	v0 =	vld [tilespmem:s15+$0x70]  }
0xd3: {  	v1 =	vld [tilespmem:s15+$0xFFFFFF90]  }
0xd4: {  	v2 =	vld [tilespmem:s15+$0xFFFFFFA0]  }
0xd5: {  	v3 =	vld [tilespmem:s15+$0xFFFFFFB0]  }
0xd6: {  	v4 =	vld [tilespmem:s15+$0xFFFFFFC0]  }
0xd7: {  	v5 =	vld [tilespmem:s15+$0xFFFFFFD0]  }
0xd8: {  	v6 =	vld [tilespmem:s15+$0xFFFFFFE0]  }
0xd9: {  	v7 =	vld [tilespmem:s15+$0xFFFFFFF0]  }
0xda: {  	v8 =	vld [tilespmem:s15+$0x0]  }
0xdb: {  	v9 =	vld [tilespmem:s15+$0x10]  }
0xdc: {  	v10 =	vld [tilespmem:s15+$0x20]  }
0xdd: {  	v11 =	vld [tilespmem:s15+$0x30]  }
0xde: {  	v12 =	vld [tilespmem:s15+$0x40]  }
0xdf: {  	v13 =	vld [tilespmem:s15+$0x50]  }
0xe0: {  	v14 =	vld [tilespmem:s15+$0x60]  }
0xe1: {  	v15 =	vld [tilespmem:s15+$0xFFFFFF80]  }
0xe2: {  	v0 =	vld.idx.msk [tilespmem:v0+s10+$0x0], $0xffff  }
0xe3: {  	v1 =	vld.idx.msk [tilespmem:v1+s10+$0x0], $0xffff  }
0xe4: {  	v2 =	vld.idx.msk [tilespmem:v2+s10+$0x0], $0xffff  }
0xe5: {  	v3 =	vld.idx.msk [tilespmem:v3+s10+$0x0], $0xffff  }
0xe6: {  	s12 =	simm.s32 $0x1C780;
	v4 =	vld.idx.msk [tilespmem:v4+s10+$0x0], $0xffff  }
0xe7: {  	v5 =	vld.idx.msk [tilespmem:v5+s10+$0x0], $0xffff;
	[tilespmem:s12+$0x70] =	vst v0  }
0xe8: {  	v6 =	vld.idx.msk [tilespmem:v6+s10+$0x0], $0xffff;
	[tilespmem:s12+$0xFFFFFF90] =	vst v1  }
0xe9: {  	v7 =	vld.idx.msk [tilespmem:v7+s10+$0x0], $0xffff;
	[tilespmem:s12+$0xFFFFFFA0] =	vst v2  }
0xea: {  	v15 =	vld.idx.msk [tilespmem:v15+s10+$0x0], $0xffff;
	[tilespmem:s12+$0xFFFFFFB0] =	vst v3  }
0xeb: {  	v8 =	vld.idx.msk [tilespmem:v8+s10+$0x0], $0xffff;
	[tilespmem:s12+$0xFFFFFFC0] =	vst v4  }
0xec: {  	v0 =	vld.idx.msk [tilespmem:v9+s10+$0x0], $0xffff;
	[tilespmem:s12+$0xFFFFFFD0] =	vst v5  }
0xed: {  	v1 =	vld.idx.msk [tilespmem:v10+s10+$0x0], $0xffff;
	[tilespmem:s12+$0xFFFFFFE0] =	vst v6  }
0xee: {  	v2 =	vld.idx.msk [tilespmem:v11+s10+$0x0], $0xffff;
	[tilespmem:s12+$0xFFFFFFF0] =	vst v7  }
0xef: {  	v3 =	vld.idx.msk [tilespmem:v12+s10+$0x0], $0xffff;
	[tilespmem:s12+$0xFFFFFF80] =	vst v15  }
0xf0: {  	v4 =	vld.idx.msk [tilespmem:v13+s10+$0x0], $0xffff;
	s16 =	rddreg [dreg:$0xc]  }
0xf1: {  	s15 =	simm.s32 $0x0;
	v5 =	vld.idx.msk [tilespmem:v14+s10+$0x0], $0xffff;
	[tilespmem:s12+$0x0] =	vst v8;
	s14 =	sadd.s32 s9, s16;
	s16 =	simm.s32 $0x1A880  }
.LBB2_7:
0xf2: {  	v6 =	vld [tilespmem:s16+$0x70];
	s15 =	sadd.s32 $0x100, s15;
	[tilespmem:s12+$0x10] =	vst v0  }
0xf3: {  	v0 =	vld [tilespmem:s16+$0xFFFFFF90];
	p1 =	slt.u32 s15, $0xF00;
	[tilespmem:s12+$0x20] =	vst v1  }
0xf4: {  	v1 =	vld [tilespmem:s16+$0xFFFFFFA0];
	[tilespmem:s12+$0x30] =	vst v2  }
0xf5: {  	v2 =	vld [tilespmem:s16+$0xFFFFFFB0];
	[tilespmem:s12+$0x40] =	vst v3  }
0xf6: {  	v3 =	vld [tilespmem:s16+$0xFFFFFFC0];
	[tilespmem:s12+$0x50] =	vst v4  }
0xf7: {  	v4 =	vld [tilespmem:s16+$0xFFFFFFD0];
	[tilespmem:s12+$0x60] =	vst v5  }
0xf8: {  	v5 =	vld [tilespmem:s16+$0xFFFFFFE0]  }
0xf9: {  	v7 =	vld [tilespmem:s16+$0xFFFFFFF0]  }
0xfa: {  	v6 =	vld.idx.msk [tilespmem:v6+s10+$0x0], $0xffff  }
0xfb: {  	v8 =	vld [tilespmem:s16+$0x0]  }
0xfc: {  	v9 =	vld [tilespmem:s16+$0x10]  }
0xfd: {  	v10 =	vld [tilespmem:s16+$0x20]  }
0xfe: {  	v11 =	vld [tilespmem:s16+$0x30]  }
0xff: {  	s12 =	sadd.s32 $0x100, s12;
	v12 =	vld [tilespmem:s16+$0x40]  }
0x100: {  	v13 =	vld [tilespmem:s16+$0x50];
	[tilespmem:s12+$0x70] =	vst v6  }
0x101: {  	v6 =	vld [tilespmem:s16+$0x60]  }
0x102: {  	v14 =	vld [tilespmem:s16+$0xFFFFFF80]  }
0x103: {  	v0 =	vld.idx.msk [tilespmem:v0+s10+$0x0], $0xffff  }
0x104: {  	v1 =	vld.idx.msk [tilespmem:v1+s10+$0x0], $0xffff  }
0x105: {  	v2 =	vld.idx.msk [tilespmem:v2+s10+$0x0], $0xffff  }
0x106: {  	v3 =	vld.idx.msk [tilespmem:v3+s10+$0x0], $0xffff  }
0x107: {  	v4 =	vld.idx.msk [tilespmem:v4+s10+$0x0], $0xffff  }
0x108: {  	v5 =	vld.idx.msk [tilespmem:v5+s10+$0x0], $0xffff  }
0x109: {  	[tilespmem:s12+$0xFFFFFF90] =	vst v0;
	v7 =	vld.idx.msk [tilespmem:v7+s10+$0x0], $0xffff  }
0x10a: {  	v14 =	vld.idx.msk [tilespmem:v14+s10+$0x0], $0xffff;
	[tilespmem:s12+$0xFFFFFFA0] =	vst v1  }
0x10b: {  	[tilespmem:s12+$0xFFFFFFB0] =	vst v2;
	v8 =	vld.idx.msk [tilespmem:v8+s10+$0x0], $0xffff  }
0x10c: {  	[tilespmem:s12+$0xFFFFFFC0] =	vst v3;
	v0 =	vld.idx.msk [tilespmem:v9+s10+$0x0], $0xffff  }
.Ltmp2:
0x10d: {  	[tilespmem:s12+$0xFFFFFFD0] =	vst v4;
	v1 =	vld.idx.msk [tilespmem:v10+s10+$0x0], $0xffff;
	(pc) =	sbr.rel @p1 .LBB2_7-.Ltmp2, $4  }
0x10e: {  	[tilespmem:s12+$0xFFFFFFE0] =	vst v5;
	v2 =	vld.idx.msk [tilespmem:v11+s10+$0x0], $0xffff  }
0x10f: {  	[tilespmem:s12+$0xFFFFFFF0] =	vst v7;
	v3 =	vld.idx.msk [tilespmem:v12+s10+$0x0], $0xffff  }
0x110: {  	[tilespmem:s12+$0xFFFFFF80] =	vst v14;
	v4 =	vld.idx.msk [tilespmem:v13+s10+$0x0], $0xffff  }
0x111: {  	s16 =	sadd.s32 $0x100, s16;
	[tilespmem:s12+$0x0] =	vst v8;
	v5 =	vld.idx.msk [tilespmem:v6+s10+$0x0], $0xffff  }
0x112: {  	[tilespmem:s12+$0x10] =	vst v0  }
0x113: {  	[tilespmem:s12+$0x20] =	vst v1  }
0x114: {  	[tilespmem:s12+$0x30] =	vst v2  }
0x115: {  	[tilespmem:s12+$0x40] =	vst v3  }
0x116: {  	[tilespmem:s12+$0x50] =	vst v4  }
0x117: {  	[tilespmem:s12+$0x60] =	vst v5  }
0x118: {  	[hbm4b:s14+s25] =	stream.strided.scatter [tilespmem:s1], [sflag:$0x4], $0x1000, s26, s25, $0x38;
	[tilespmem:$0x1FB00] =	vst v63  }
0x119: {  	_ =	swait.ge [sflag:s20], $0x1000  }
0x11a: {  	[sflag:s20] =	ssyncset.done $0x0  }
0x11b: {  	s15 =	simm.s32 $0x1B7F0;
	[sflag:s20] =	ssyncadd.s32 $0xFFFFF000  }
0x11c: {  	v0 =	vld [tilespmem:s15+$0x0]  }
0x11d: {  	v1 =	vld [tilespmem:s15+$0xFFFFFF20]  }
0x11e: {  	v2 =	vld [tilespmem:s15+$0xFFFFFF30]  }
0x11f: {  	v3 =	vld [tilespmem:s15+$0xFFFFFF40]  }
0x120: {  	v4 =	vld [tilespmem:s15+$0xFFFFFF50]  }
0x121: {  	v5 =	vld [tilespmem:s15+$0xFFFFFF60]  }
0x122: {  	v6 =	vld [tilespmem:s15+$0xFFFFFF70]  }
0x123: {  	v7 =	vld [tilespmem:s15+$0xFFFFFF80]  }
0x124: {  	v8 =	vld [tilespmem:s15+$0xFFFFFF90]  }
0x125: {  	v9 =	vld [tilespmem:s15+$0xFFFFFFA0]  }
0x126: {  	v10 =	vld [tilespmem:s15+$0xFFFFFFB0]  }
0x127: {  	v11 =	vld [tilespmem:s15+$0xFFFFFFC0]  }
0x128: {  	v12 =	vld [tilespmem:s15+$0xFFFFFFD0]  }
0x129: {  	v13 =	vld [tilespmem:s15+$0xFFFFFFE0]  }
0x12a: {  	v14 =	vld [tilespmem:s15+$0xFFFFFFF0]  }
0x12b: {  	v15 =	vld [tilespmem:s15+$0xFFFFFF10]  }
0x12c: {  	v0 =	vld.idx.msk [tilespmem:v0+s10+$0x0], $0xffff  }
0x12d: {  	v1 =	vld.idx.msk [tilespmem:v1+s10+$0x0], $0xffff  }
0x12e: {  	v2 =	vld.idx.msk [tilespmem:v2+s10+$0x0], $0xffff  }
0x12f: {  	v3 =	vld.idx.msk [tilespmem:v3+s10+$0x0], $0xffff  }
0x130: {  	s12 =	simm.s32 $0x1D780;
	v4 =	vld.idx.msk [tilespmem:v4+s10+$0x0], $0xffff  }
0x131: {  	v5 =	vld.idx.msk [tilespmem:v5+s10+$0x0], $0xffff;
	[tilespmem:s12+$0x70] =	vst v0  }
0x132: {  	v6 =	vld.idx.msk [tilespmem:v6+s10+$0x0], $0xffff;
	[tilespmem:s12+$0xFFFFFF90] =	vst v1  }
0x133: {  	v7 =	vld.idx.msk [tilespmem:v7+s10+$0x0], $0xffff;
	[tilespmem:s12+$0xFFFFFFA0] =	vst v2  }
0x134: {  	v15 =	vld.idx.msk [tilespmem:v15+s10+$0x0], $0xffff;
	[tilespmem:s12+$0xFFFFFFB0] =	vst v3  }
0x135: {  	v8 =	vld.idx.msk [tilespmem:v8+s10+$0x0], $0xffff;
	[tilespmem:s12+$0xFFFFFFC0] =	vst v4  }
0x136: {  	v0 =	vld.idx.msk [tilespmem:v9+s10+$0x0], $0xffff;
	[tilespmem:s12+$0xFFFFFFD0] =	vst v5  }
0x137: {  	v1 =	vld.idx.msk [tilespmem:v10+s10+$0x0], $0xffff;
	[tilespmem:s12+$0xFFFFFFE0] =	vst v6  }
0x138: {  	v2 =	vld.idx.msk [tilespmem:v11+s10+$0x0], $0xffff;
	[tilespmem:s12+$0xFFFFFFF0] =	vst v7  }
0x139: {  	v3 =	vld.idx.msk [tilespmem:v12+s10+$0x0], $0xffff;
	[tilespmem:s12+$0xFFFFFF80] =	vst v15  }
0x13a: {  	v4 =	vld.idx.msk [tilespmem:v13+s10+$0x0], $0xffff;
	s16 =	rddreg [dreg:$0xd]  }
0x13b: {  	s15 =	simm.s32 $0x1B8F0;
	v5 =	vld.idx.msk [tilespmem:v14+s10+$0x0], $0xffff;
	[tilespmem:s12+$0x0] =	vst v8;
	s14 =	sadd.s32 s9, s16;
	s9 =	simm.s32 $0x0  }
.LBB2_9:
0x13c: {  	v6 =	vld [tilespmem:s15+$0x0];
	s9 =	sadd.s32 $0x100, s9;
	[tilespmem:s12+$0x10] =	vst v0  }
0x13d: {  	v0 =	vld [tilespmem:s15+$0xFFFFFF20];
	p1 =	slt.u32 s9, $0xF00;
	[tilespmem:s12+$0x20] =	vst v1  }
0x13e: {  	v1 =	vld [tilespmem:s15+$0xFFFFFF30];
	[tilespmem:s12+$0x30] =	vst v2  }
0x13f: {  	v2 =	vld [tilespmem:s15+$0xFFFFFF40];
	[tilespmem:s12+$0x40] =	vst v3  }
0x140: {  	v3 =	vld [tilespmem:s15+$0xFFFFFF50];
	[tilespmem:s12+$0x50] =	vst v4  }
0x141: {  	v4 =	vld [tilespmem:s15+$0xFFFFFF60];
	[tilespmem:s12+$0x60] =	vst v5  }
0x142: {  	v5 =	vld [tilespmem:s15+$0xFFFFFF70]  }
0x143: {  	v7 =	vld [tilespmem:s15+$0xFFFFFF80]  }
0x144: {  	v6 =	vld.idx.msk [tilespmem:v6+s10+$0x0], $0xffff  }
0x145: {  	v8 =	vld [tilespmem:s15+$0xFFFFFF90]  }
0x146: {  	v9 =	vld [tilespmem:s15+$0xFFFFFFA0]  }
0x147: {  	v10 =	vld [tilespmem:s15+$0xFFFFFFB0]  }
0x148: {  	v11 =	vld [tilespmem:s15+$0xFFFFFFC0]  }
0x149: {  	s12 =	sadd.s32 $0x100, s12;
	v12 =	vld [tilespmem:s15+$0xFFFFFFD0]  }
0x14a: {  	v13 =	vld [tilespmem:s15+$0xFFFFFFE0];
	[tilespmem:s12+$0x70] =	vst v6  }
0x14b: {  	v6 =	vld [tilespmem:s15+$0xFFFFFFF0]  }
0x14c: {  	v14 =	vld [tilespmem:s15+$0xFFFFFF10]  }
0x14d: {  	v0 =	vld.idx.msk [tilespmem:v0+s10+$0x0], $0xffff  }
0x14e: {  	v1 =	vld.idx.msk [tilespmem:v1+s10+$0x0], $0xffff  }
0x14f: {  	v2 =	vld.idx.msk [tilespmem:v2+s10+$0x0], $0xffff  }
0x150: {  	v3 =	vld.idx.msk [tilespmem:v3+s10+$0x0], $0xffff  }
0x151: {  	v4 =	vld.idx.msk [tilespmem:v4+s10+$0x0], $0xffff  }
0x152: {  	v5 =	vld.idx.msk [tilespmem:v5+s10+$0x0], $0xffff  }
0x153: {  	[tilespmem:s12+$0xFFFFFF90] =	vst v0;
	v7 =	vld.idx.msk [tilespmem:v7+s10+$0x0], $0xffff  }
0x154: {  	v14 =	vld.idx.msk [tilespmem:v14+s10+$0x0], $0xffff;
	[tilespmem:s12+$0xFFFFFFA0] =	vst v1  }
0x155: {  	[tilespmem:s12+$0xFFFFFFB0] =	vst v2;
	v8 =	vld.idx.msk [tilespmem:v8+s10+$0x0], $0xffff  }
0x156: {  	[tilespmem:s12+$0xFFFFFFC0] =	vst v3;
	v0 =	vld.idx.msk [tilespmem:v9+s10+$0x0], $0xffff  }
.Ltmp3:
0x157: {  	[tilespmem:s12+$0xFFFFFFD0] =	vst v4;
	v1 =	vld.idx.msk [tilespmem:v10+s10+$0x0], $0xffff;
	(pc) =	sbr.rel @p1 .LBB2_9-.Ltmp3, $4  }
0x158: {  	[tilespmem:s12+$0xFFFFFFE0] =	vst v5;
	v2 =	vld.idx.msk [tilespmem:v11+s10+$0x0], $0xffff  }
0x159: {  	[tilespmem:s12+$0xFFFFFFF0] =	vst v7;
	v3 =	vld.idx.msk [tilespmem:v12+s10+$0x0], $0xffff  }
0x15a: {  	[tilespmem:s12+$0xFFFFFF80] =	vst v14;
	v4 =	vld.idx.msk [tilespmem:v13+s10+$0x0], $0xffff  }
0x15b: {  	s15 =	sadd.s32 $0x100, s15;
	[tilespmem:s12+$0x0] =	vst v8;
	v5 =	vld.idx.msk [tilespmem:v6+s10+$0x0], $0xffff  }
0x15c: {  	[tilespmem:s12+$0x10] =	vst v0  }
0x15d: {  	[tilespmem:s12+$0x20] =	vst v1;
	s9 =	sshll.u32 s28, $0x4  }
0x15e: {  	s7 =	smul.u32 $0x30E000, s7;
	[tilespmem:s12+$0x30] =	vst v2;
	s9 =	sand.u32 $0x1E0, s9  }
0x15f: {  	[tilespmem:s12+$0x40] =	vst v3;
	s15 =	sor.u32 s17, s9  }
0x160: {  	s7 =	sadd.s32 s19, s7;
	[tilespmem:s12+$0x50] =	vst v4;
	v0 =	vmov s15  }
0x161: {  	s16 =	rddreg [dreg:$0x0];
	s7 =	sshrl.u32 s7, $0x3;
	[tilespmem:s12+$0x60] =	vst v5  }
0x162: {  	[hbm4b:s14+s25] =	stream.strided.scatter [tilespmem:s4], [sflag:$0x5], $0x1000, s26, s25, $0x38;
	[tilespmem:$0x1FB00] =	vst v63  }
0x163: {  	s7 =	sadd.s32 s16, s7  }
0x164: {  	[tilespmem:s10], [sflag:$0x1] =	stream.strided.gather [hbm4b:s7+s25], $0x18700, s26, s25, $0x38;
	[tilespmem:$0x1FB00] =	vst v63  }
0x165: {  	v2 =	vld.idx.msk [tilespmem:v0+s22+$0x0], $0xffff  }
0x166: {  	v1 =	vld.idx.msk [tilespmem:v0+s24+$0x0], $0xffff;
	_ =	swait.ge [sflag:s23], $0x800  }
0x167: {  	[sflag:s23] =	ssyncset.done $0x0  }
0x168: {  	s12 =	simm.s32 $0x1E740;
	[sflag:s23] =	ssyncadd.s32 $0xFFFFF800  }
0x169: {  	v3 =	vld [tilespmem:s12+$0x30]  }
0x16a: {  	v4 =	vld [tilespmem:s12+$0xFFFFFFD0]  }
0x16b: {  	v5 =	vld [tilespmem:s12+$0xFFFFFFE0]  }
0x16c: {  	v6 =	vld [tilespmem:s12+$0xFFFFFFF0]  }
0x16d: {  	v7 =	vld [tilespmem:s12+$0x0];
	_ =	sdelay $0x1  }
0x16e: {  	v8 =	vld [tilespmem:s12+$0x10];
	v3 =	vmul.f32 v3, v2  }
0x16f: {  	v9 =	vld [tilespmem:s12+$0x20];
	v4 =	vmul.f32 v4, v2  }
0x170: {  	s7 =	simm.s32 $0x1E7C0;
	v10 =	vld [tilespmem:s12+$0xFFFFFFC0];
	v5 =	vmul.f32 v5, v2;
	v3 =	vadd.f32 v3, v1  }
0x171: {  	v11 =	vld [tilespmem:s7+$0x30];
	v6 =	vmul.f32 v6, v2;
	v7 =	vmul.f32 v7, v2;
	v4 =	vadd.f32 v4, v1  }
0x172: {  	v12 =	vld [tilespmem:s7+$0xFFFFFFD0];
	v13 =	vadd.f32 v5, v1;
	[tilespmem:s12+$0x30] =	vst v3  }
0x173: {  	v14 =	vld [tilespmem:s7+$0xFFFFFFE0];
	v7 =	vadd.f32 v7, v1;
	[tilespmem:s12+$0xFFFFFFD0] =	vst v4;
	v3 =	vadd.f32 v6, v1;
	v6 =	vmul.f32 v8, v2  }
0x174: {  	v5 =	vld [tilespmem:s7+$0xFFFFFFF0];
	[tilespmem:s12+$0xFFFFFFE0] =	vst v13;
	v8 =	vmul.f32 v9, v2  }
0x175: {  	v10 =	vmul.f32 v10, v2;
	v4 =	vld [tilespmem:s7+$0x0];
	[tilespmem:s12+$0x0] =	vst v7;
	v63 =	vadd.f32 v6, v1  }
0x176: {  	v15 =	vmul.f32 v11, v2;
	[tilespmem:s12+$0xFFFFFFF0] =	vst v3;
	v3 =	vld [tilespmem:s7+$0x10];
	v16 =	vadd.f32 v8, v1  }
0x177: {  	v11 =	vadd.f32 v10, v1;
	v9 =	vmul.f32 v12, v2;
	v6 =	vld [tilespmem:s7+$0x20];
	[tilespmem:s12+$0x10] =	vst v63  }
0x178: {  	s15 =	simm.s32 $0x1E840;
	s14 =	simm.s32 $0x80;
	v10 =	vmul.f32 v14, v2;
	v7 =	vld [tilespmem:s7+$0xFFFFFFC0];
	v8 =	vadd.f32 v15, v1;
	[tilespmem:s12+$0x20] =	vst v16  }
.LBB2_11:
0x179: {  	v12 =	vld [tilespmem:s15+$0x30];
	s14 =	sadd.s32 $0x80, s14;
	v9 =	vadd.f32 v9, v1;
	v5 =	vmul.f32 v5, v2;
	[tilespmem:s12+$0xFFFFFFC0] =	vst v11;
	s12 =	smov.u32 s7;
	s7 =	smov.u32 s15  }
0x17a: {  	v11 =	vld [tilespmem:s15+$0xFFFFFFD0];
	p1 =	slt.u32 s14, $0x780;
	v10 =	vadd.f32 v10, v1;
	v4 =	vmul.f32 v4, v2;
	[tilespmem:s12+$0x30] =	vst v8  }
0x17b: {  	v8 =	vld [tilespmem:s15+$0xFFFFFFE0];
	[tilespmem:s12+$0xFFFFFFD0] =	vst v9;
	v9 =	vadd.f32 v5, v1;
	v3 =	vmul.f32 v3, v2  }
.Ltmp4:
0x17c: {  	v5 =	vld [tilespmem:s15+$0xFFFFFFF0];
	[tilespmem:s12+$0xFFFFFFE0] =	vst v10;
	v10 =	vadd.f32 v4, v1;
	v6 =	vmul.f32 v6, v2;
	(pc) =	sbr.rel @p1 .LBB2_11-.Ltmp4, $4  }
0x17d: {  	v4 =	vld [tilespmem:s15+$0x0];
	v7 =	vmul.f32 v7, v2;
	[tilespmem:s12+$0xFFFFFFF0] =	vst v9;
	v13 =	vadd.f32 v3, v1  }
0x17e: {  	v3 =	vld [tilespmem:s15+$0x10];
	v12 =	vmul.f32 v12, v2;
	[tilespmem:s12+$0x0] =	vst v10;
	v14 =	vadd.f32 v6, v1  }
0x17f: {  	v9 =	vmul.f32 v11, v2;
	v6 =	vld [tilespmem:s15+$0x20];
	v11 =	vadd.f32 v7, v1;
	[tilespmem:s12+$0x10] =	vst v13  }
0x180: {  	s15 =	sadd.s32 $0x80, s15;
	v7 =	vld [tilespmem:s7+$0xFFFFFFC0];
	v10 =	vmul.f32 v8, v2;
	v8 =	vadd.f32 v12, v1;
	[tilespmem:s12+$0x20] =	vst v14  }
0x181: {  	v9 =	vadd.f32 v9, v1;
	v5 =	vmul.f32 v5, v2;
	[tilespmem:s12+$0xFFFFFFC0] =	vst v11  }
0x182: {  	v10 =	vadd.f32 v10, v1;
	[tilespmem:s7+$0x30] =	vst v8  }
0x183: {  	[tilespmem:s7+$0xFFFFFFD0] =	vst v9;
	v5 =	vadd.f32 v5, v1  }
0x184: {  	v4 =	vmul.f32 v4, v2;
	[tilespmem:s7+$0xFFFFFFE0] =	vst v10  }
0x185: {  	v3 =	vmul.f32 v3, v2;
	[tilespmem:s7+$0xFFFFFFF0] =	vst v5  }
0x186: {  	v4 =	vadd.f32 v4, v1;
	v6 =	vmul.f32 v6, v2;
	s12 =	rddreg [dreg:$0x7]  }
0x187: {  	v2 =	vmul.f32 v7, v2;
	v3 =	vadd.f32 v3, v1;
	s9 =	sor.u32 s12, s9  }
0x188: {  	s14 =	sshll.u32 s28, $0xD;
	[tilespmem:s7+$0x0] =	vst v4;
	v4 =	vadd.f32 v6, v1;
	s9 =	sshll.u32 s9, $0xB  }
0x189: {  	v1 =	vadd.f32 v2, v1;
	[tilespmem:s7+$0x10] =	vst v3;
	s12 =	sand.u32 $0x2000, s14;
	s9 =	sand.u32 $0xFC000, s9  }
0x18a: {  	[tilespmem:s7+$0x20] =	vst v4;
	s12 =	sor.u32 s9, s12  }
0x18b: {  	s28 =	sshll.u32 s28, $0x2;
	[tilespmem:s7+$0xFFFFFFC0] =	vst v1;
	s15 =	sadd.s32 s12, s18;
	s12 =	simm.s32 @!p0 $0x9  }
0x18c: {  	[hbm4b:s15+s25] =	stream.strided.scatter [tilespmem:s29], [sflag:$0x8], $0x800, s26, s25, $0x38;
	[tilespmem:$0x1FB00] =	vst v63  }
0x18d: {  	s7 =	sor.u32 $0x1, s28;
	_ =	swait.ge @!p0 [sflag:s12], $0x800  }
0x18e: {  	s14 =	sshll.u32 s7, $0x8;
	[sflag:s12] =	ssyncset.done @!p0 $0x0  }
0x18f: {  	s16 =	sadd.s32 s3, s14;
	[sflag:s12] =	ssyncadd.s32 @!p0 $0xFFFFF800  }
0x190: {  	[tilespmem:s0], [sflag:$0x7] =	stream.linear.gather [hbm4b:s16+s10], $0x800, $0x38;
	[tilespmem:$0x1FB00] =	vst v63  }
0x191: {  	v2 =	vld.idx.msk [tilespmem:v0+s22+$0x0], $0xffff  }
0x192: {  	v1 =	vld.idx.msk [tilespmem:v0+s24+$0x0], $0xffff;
	_ =	swait.ge [sflag:s8], $0x800  }
0x193: {  	[sflag:s8] =	ssyncset.done $0x0  }
0x194: {  	s14 =	simm.s32 $0x1EF40;
	[sflag:s8] =	ssyncadd.s32 $0xFFFFF800  }
0x195: {  	v3 =	vld [tilespmem:s14+$0x30]  }
0x196: {  	v4 =	vld [tilespmem:s14+$0xFFFFFFD0]  }
0x197: {  	v5 =	vld [tilespmem:s14+$0xFFFFFFE0]  }
0x198: {  	v6 =	vld [tilespmem:s14+$0xFFFFFFF0]  }
0x199: {  	v7 =	vld [tilespmem:s14+$0x0];
	_ =	sdelay $0x1  }
0x19a: {  	v8 =	vld [tilespmem:s14+$0x10];
	v3 =	vmul.f32 v3, v2  }
0x19b: {  	v9 =	vld [tilespmem:s14+$0x20];
	v4 =	vmul.f32 v4, v2  }
0x19c: {  	s12 =	simm.s32 $0x1EFC0;
	v10 =	vld [tilespmem:s14+$0xFFFFFFC0];
	v5 =	vmul.f32 v5, v2;
	v3 =	vadd.f32 v3, v1  }
0x19d: {  	v11 =	vld [tilespmem:s12+$0x30];
	v6 =	vmul.f32 v6, v2;
	v7 =	vmul.f32 v7, v2;
	v4 =	vadd.f32 v4, v1  }
0x19e: {  	v12 =	vld [tilespmem:s12+$0xFFFFFFD0];
	v13 =	vadd.f32 v5, v1;
	[tilespmem:s14+$0x30] =	vst v3  }
0x19f: {  	v14 =	vld [tilespmem:s12+$0xFFFFFFE0];
	v7 =	vadd.f32 v7, v1;
	[tilespmem:s14+$0xFFFFFFD0] =	vst v4;
	v3 =	vadd.f32 v6, v1;
	v6 =	vmul.f32 v8, v2  }
0x1a0: {  	v5 =	vld [tilespmem:s12+$0xFFFFFFF0];
	[tilespmem:s14+$0xFFFFFFE0] =	vst v13;
	v8 =	vmul.f32 v9, v2  }
0x1a1: {  	v10 =	vmul.f32 v10, v2;
	v4 =	vld [tilespmem:s12+$0x0];
	[tilespmem:s14+$0x0] =	vst v7;
	v63 =	vadd.f32 v6, v1  }
0x1a2: {  	v15 =	vmul.f32 v11, v2;
	[tilespmem:s14+$0xFFFFFFF0] =	vst v3;
	v3 =	vld [tilespmem:s12+$0x10];
	v16 =	vadd.f32 v8, v1  }
0x1a3: {  	v11 =	vadd.f32 v10, v1;
	v9 =	vmul.f32 v12, v2;
	v6 =	vld [tilespmem:s12+$0x20];
	[tilespmem:s14+$0x10] =	vst v63  }
0x1a4: {  	s15 =	simm.s32 $0x80;
	s16 =	simm.s32 $0x1F040;
	v10 =	vmul.f32 v14, v2;
	v7 =	vld [tilespmem:s12+$0xFFFFFFC0];
	v8 =	vadd.f32 v15, v1;
	[tilespmem:s14+$0x20] =	vst v16  }
.LBB2_13:
0x1a5: {  	v12 =	vld [tilespmem:s16+$0x30];
	s15 =	sadd.s32 $0x80, s15;
	v9 =	vadd.f32 v9, v1;
	v5 =	vmul.f32 v5, v2;
	[tilespmem:s14+$0xFFFFFFC0] =	vst v11;
	s14 =	smov.u32 s12;
	s12 =	smov.u32 s16  }
0x1a6: {  	v11 =	vld [tilespmem:s16+$0xFFFFFFD0];
	p0 =	slt.u32 s15, $0x780;
	v10 =	vadd.f32 v10, v1;
	v4 =	vmul.f32 v4, v2;
	[tilespmem:s14+$0x30] =	vst v8  }
0x1a7: {  	v8 =	vld [tilespmem:s16+$0xFFFFFFE0];
	[tilespmem:s14+$0xFFFFFFD0] =	vst v9;
	v9 =	vadd.f32 v5, v1;
	v3 =	vmul.f32 v3, v2  }
.Ltmp5:
0x1a8: {  	v5 =	vld [tilespmem:s16+$0xFFFFFFF0];
	[tilespmem:s14+$0xFFFFFFE0] =	vst v10;
	v10 =	vadd.f32 v4, v1;
	v6 =	vmul.f32 v6, v2;
	(pc) =	sbr.rel @p0 .LBB2_13-.Ltmp5, $4  }
0x1a9: {  	v4 =	vld [tilespmem:s16+$0x0];
	v7 =	vmul.f32 v7, v2;
	[tilespmem:s14+$0xFFFFFFF0] =	vst v9;
	v13 =	vadd.f32 v3, v1  }
0x1aa: {  	v3 =	vld [tilespmem:s16+$0x10];
	v12 =	vmul.f32 v12, v2;
	[tilespmem:s14+$0x0] =	vst v10;
	v14 =	vadd.f32 v6, v1  }
0x1ab: {  	v9 =	vmul.f32 v11, v2;
	v6 =	vld [tilespmem:s16+$0x20];
	v11 =	vadd.f32 v7, v1;
	[tilespmem:s14+$0x10] =	vst v13  }
0x1ac: {  	s16 =	sadd.s32 $0x80, s16;
	v7 =	vld [tilespmem:s12+$0xFFFFFFC0];
	v10 =	vmul.f32 v8, v2;
	v8 =	vadd.f32 v12, v1;
	[tilespmem:s14+$0x20] =	vst v14  }
0x1ad: {  	v9 =	vadd.f32 v9, v1;
	v5 =	vmul.f32 v5, v2;
	[tilespmem:s14+$0xFFFFFFC0] =	vst v11  }
0x1ae: {  	v10 =	vadd.f32 v10, v1;
	v4 =	vmul.f32 v4, v2;
	[tilespmem:s12+$0x30] =	vst v8  }
0x1af: {  	[tilespmem:s12+$0xFFFFFFD0] =	vst v9;
	v5 =	vadd.f32 v5, v1;
	v3 =	vmul.f32 v3, v2  }
0x1b0: {  	[tilespmem:s12+$0xFFFFFFE0] =	vst v10;
	v4 =	vadd.f32 v4, v1;
	v6 =	vmul.f32 v6, v2  }
0x1b1: {  	v2 =	vmul.f32 v7, v2;
	[tilespmem:s12+$0xFFFFFFF0] =	vst v5;
	v3 =	vadd.f32 v3, v1  }
0x1b2: {  	s7 =	sshll.u32 s7, $0xB;
	[tilespmem:s12+$0x0] =	vst v4;
	v4 =	vadd.f32 v6, v1  }
0x1b3: {  	s7 =	sand.u32 $0x2800, s7;
	v1 =	vadd.f32 v2, v1;
	[tilespmem:s12+$0x10] =	vst v3  }
0x1b4: {  	s7 =	sor.u32 s9, s7;
	[tilespmem:s12+$0x20] =	vst v4  }
0x1b5: {  	s7 =	sadd.s32 s7, s18;
	[tilespmem:s12+$0xFFFFFFC0] =	vst v1  }
0x1b6: {  	[hbm4b:s7+s25] =	stream.strided.scatter [tilespmem:s0], [sflag:$0x9], $0x800, s26, s25, $0x38;
	[tilespmem:$0x1FB00] =	vst v63  }
0x1b7: {  	s7 =	sor.u32 $0x2, s28;
	_ =	swait.ge [sflag:s2], $0x800  }
0x1b8: {  	s16 =	sshll.u32 s7, $0x8;
	[sflag:s2] =	ssyncset.done $0x0  }
0x1b9: {  	s12 =	sadd.s32 s3, s16;
	[sflag:s2] =	ssyncadd.s32 $0xFFFFF800  }
0x1ba: {  	[tilespmem:s29], [sflag:$0x6] =	stream.linear.gather [hbm4b:s12+s10], $0x800, $0x38;
	[tilespmem:$0x1FB00] =	vst v63  }
0x1bb: {  	v2 =	vld.idx.msk [tilespmem:v0+s22+$0x0], $0xffff  }
0x1bc: {  	v1 =	vld.idx.msk [tilespmem:v0+s24+$0x0], $0xffff;
	_ =	swait.ge [sflag:s23], $0x800  }
0x1bd: {  	[sflag:s23] =	ssyncset.done $0x0  }
0x1be: {  	s14 =	simm.s32 $0x1E740;
	[sflag:s23] =	ssyncadd.s32 $0xFFFFF800  }
0x1bf: {  	v3 =	vld [tilespmem:s14+$0x30]  }
0x1c0: {  	v4 =	vld [tilespmem:s14+$0xFFFFFFD0]  }
0x1c1: {  	v5 =	vld [tilespmem:s14+$0xFFFFFFE0]  }
0x1c2: {  	v6 =	vld [tilespmem:s14+$0xFFFFFFF0]  }
0x1c3: {  	v7 =	vld [tilespmem:s14+$0x0];
	_ =	sdelay $0x1  }
0x1c4: {  	v8 =	vld [tilespmem:s14+$0x10];
	v3 =	vmul.f32 v3, v2  }
0x1c5: {  	v9 =	vld [tilespmem:s14+$0x20];
	v4 =	vmul.f32 v4, v2  }
0x1c6: {  	s12 =	simm.s32 $0x1E7C0;
	v10 =	vld [tilespmem:s14+$0xFFFFFFC0];
	v5 =	vmul.f32 v5, v2;
	v3 =	vadd.f32 v3, v1  }
0x1c7: {  	v11 =	vld [tilespmem:s12+$0x30];
	v6 =	vmul.f32 v6, v2;
	v7 =	vmul.f32 v7, v2;
	v4 =	vadd.f32 v4, v1  }
0x1c8: {  	v12 =	vld [tilespmem:s12+$0xFFFFFFD0];
	v13 =	vadd.f32 v5, v1;
	[tilespmem:s14+$0x30] =	vst v3  }
0x1c9: {  	v14 =	vld [tilespmem:s12+$0xFFFFFFE0];
	v7 =	vadd.f32 v7, v1;
	[tilespmem:s14+$0xFFFFFFD0] =	vst v4;
	v3 =	vadd.f32 v6, v1;
	v6 =	vmul.f32 v8, v2  }
0x1ca: {  	v5 =	vld [tilespmem:s12+$0xFFFFFFF0];
	[tilespmem:s14+$0xFFFFFFE0] =	vst v13;
	v8 =	vmul.f32 v9, v2  }
0x1cb: {  	v10 =	vmul.f32 v10, v2;
	v4 =	vld [tilespmem:s12+$0x0];
	[tilespmem:s14+$0x0] =	vst v7;
	v63 =	vadd.f32 v6, v1  }
0x1cc: {  	v15 =	vmul.f32 v11, v2;
	[tilespmem:s14+$0xFFFFFFF0] =	vst v3;
	v3 =	vld [tilespmem:s12+$0x10];
	v16 =	vadd.f32 v8, v1  }
0x1cd: {  	v11 =	vadd.f32 v10, v1;
	v9 =	vmul.f32 v12, v2;
	v6 =	vld [tilespmem:s12+$0x20];
	[tilespmem:s14+$0x10] =	vst v63  }
0x1ce: {  	s15 =	simm.s32 $0x80;
	s16 =	simm.s32 $0x1E840;
	v10 =	vmul.f32 v14, v2;
	v7 =	vld [tilespmem:s12+$0xFFFFFFC0];
	v8 =	vadd.f32 v15, v1;
	[tilespmem:s14+$0x20] =	vst v16  }
.LBB2_15:
0x1cf: {  	v12 =	vld [tilespmem:s16+$0x30];
	s15 =	sadd.s32 $0x80, s15;
	v9 =	vadd.f32 v9, v1;
	v5 =	vmul.f32 v5, v2;
	[tilespmem:s14+$0xFFFFFFC0] =	vst v11;
	s14 =	smov.u32 s12;
	s12 =	smov.u32 s16  }
0x1d0: {  	v11 =	vld [tilespmem:s16+$0xFFFFFFD0];
	p0 =	slt.u32 s15, $0x780;
	v10 =	vadd.f32 v10, v1;
	v4 =	vmul.f32 v4, v2;
	[tilespmem:s14+$0x30] =	vst v8  }
0x1d1: {  	v8 =	vld [tilespmem:s16+$0xFFFFFFE0];
	[tilespmem:s14+$0xFFFFFFD0] =	vst v9;
	v9 =	vadd.f32 v5, v1;
	v3 =	vmul.f32 v3, v2  }
.Ltmp6:
0x1d2: {  	v5 =	vld [tilespmem:s16+$0xFFFFFFF0];
	[tilespmem:s14+$0xFFFFFFE0] =	vst v10;
	v10 =	vadd.f32 v4, v1;
	v6 =	vmul.f32 v6, v2;
	(pc) =	sbr.rel @p0 .LBB2_15-.Ltmp6, $4  }
0x1d3: {  	v4 =	vld [tilespmem:s16+$0x0];
	v7 =	vmul.f32 v7, v2;
	[tilespmem:s14+$0xFFFFFFF0] =	vst v9;
	v13 =	vadd.f32 v3, v1  }
0x1d4: {  	v3 =	vld [tilespmem:s16+$0x10];
	v12 =	vmul.f32 v12, v2;
	[tilespmem:s14+$0x0] =	vst v10;
	v14 =	vadd.f32 v6, v1  }
0x1d5: {  	v9 =	vmul.f32 v11, v2;
	v6 =	vld [tilespmem:s16+$0x20];
	v11 =	vadd.f32 v7, v1;
	[tilespmem:s14+$0x10] =	vst v13  }
0x1d6: {  	s16 =	sadd.s32 $0x80, s16;
	v7 =	vld [tilespmem:s12+$0xFFFFFFC0];
	v10 =	vmul.f32 v8, v2;
	v8 =	vadd.f32 v12, v1;
	[tilespmem:s14+$0x20] =	vst v14  }
0x1d7: {  	v9 =	vadd.f32 v9, v1;
	v5 =	vmul.f32 v5, v2;
	[tilespmem:s14+$0xFFFFFFC0] =	vst v11  }
0x1d8: {  	v10 =	vadd.f32 v10, v1;
	v4 =	vmul.f32 v4, v2;
	[tilespmem:s12+$0x30] =	vst v8  }
0x1d9: {  	[tilespmem:s12+$0xFFFFFFD0] =	vst v9;
	v5 =	vadd.f32 v5, v1;
	v3 =	vmul.f32 v3, v2  }
0x1da: {  	[tilespmem:s12+$0xFFFFFFE0] =	vst v10;
	v4 =	vadd.f32 v4, v1;
	v6 =	vmul.f32 v6, v2  }
0x1db: {  	v2 =	vmul.f32 v7, v2;
	[tilespmem:s12+$0xFFFFFFF0] =	vst v5;
	v3 =	vadd.f32 v3, v1  }
0x1dc: {  	s7 =	sshll.u32 s7, $0xB;
	[tilespmem:s12+$0x0] =	vst v4;
	v4 =	vadd.f32 v6, v1  }
0x1dd: {  	s7 =	sand.u32 $0x3000, s7;
	v1 =	vadd.f32 v2, v1;
	[tilespmem:s12+$0x10] =	vst v3  }
0x1de: {  	s7 =	sor.u32 s9, s7;
	[tilespmem:s12+$0x20] =	vst v4  }
0x1df: {  	s7 =	sadd.s32 s7, s18;
	[tilespmem:s12+$0xFFFFFFC0] =	vst v1  }
0x1e0: {  	[hbm4b:s7+s25] =	stream.strided.scatter [tilespmem:s29], [sflag:$0x8], $0x800, s26, s25, $0x38;
	[tilespmem:$0x1FB00] =	vst v63  }
0x1e1: {  	s7 =	sor.u32 $0x3, s28;
	_ =	swait.ge [sflag:s5], $0x800  }
0x1e2: {  	s16 =	sshll.u32 s7, $0x8;
	[sflag:s5] =	ssyncset.done $0x0  }
0x1e3: {  	s12 =	sadd.s32 s3, s16;
	[sflag:s5] =	ssyncadd.s32 $0xFFFFF800  }
0x1e4: {  	[tilespmem:s0], [sflag:$0x7] =	stream.linear.gather [hbm4b:s12+s10], $0x800, $0x38;
	[tilespmem:$0x1FB00] =	vst v63  }
0x1e5: {  	v1 =	vld.idx.msk [tilespmem:v0+s22+$0x0], $0xffff  }
0x1e6: {  	v0 =	vld.idx.msk [tilespmem:v0+s24+$0x0], $0xffff;
	_ =	swait.ge [sflag:s8], $0x800  }
0x1e7: {  	[sflag:s8] =	ssyncset.done $0x0  }
0x1e8: {  	s14 =	simm.s32 $0x1EF40;
	[sflag:s8] =	ssyncadd.s32 $0xFFFFF800  }
0x1e9: {  	v2 =	vld [tilespmem:s14+$0x30]  }
0x1ea: {  	v3 =	vld [tilespmem:s14+$0xFFFFFFD0]  }
0x1eb: {  	v4 =	vld [tilespmem:s14+$0xFFFFFFE0]  }
0x1ec: {  	v5 =	vld [tilespmem:s14+$0xFFFFFFF0]  }
0x1ed: {  	v6 =	vld [tilespmem:s14+$0x0];
	_ =	sdelay $0x1  }
0x1ee: {  	v7 =	vld [tilespmem:s14+$0x10];
	v2 =	vmul.f32 v2, v1  }
0x1ef: {  	v8 =	vld [tilespmem:s14+$0x20];
	v3 =	vmul.f32 v3, v1  }
0x1f0: {  	s12 =	simm.s32 $0x1EFC0;
	v9 =	vld [tilespmem:s14+$0xFFFFFFC0];
	v4 =	vmul.f32 v4, v1;
	v2 =	vadd.f32 v2, v0  }
0x1f1: {  	v10 =	vld [tilespmem:s12+$0x30];
	v5 =	vmul.f32 v5, v1;
	v6 =	vmul.f32 v6, v1;
	v3 =	vadd.f32 v3, v0  }
0x1f2: {  	v11 =	vld [tilespmem:s12+$0xFFFFFFD0];
	v12 =	vadd.f32 v4, v0;
	[tilespmem:s14+$0x30] =	vst v2  }
0x1f3: {  	v13 =	vld [tilespmem:s12+$0xFFFFFFE0];
	v6 =	vadd.f32 v6, v0;
	[tilespmem:s14+$0xFFFFFFD0] =	vst v3;
	v2 =	vadd.f32 v5, v0;
	v5 =	vmul.f32 v7, v1  }
0x1f4: {  	v4 =	vld [tilespmem:s12+$0xFFFFFFF0];
	[tilespmem:s14+$0xFFFFFFE0] =	vst v12;
	v7 =	vmul.f32 v8, v1  }
0x1f5: {  	v9 =	vmul.f32 v9, v1;
	v3 =	vld [tilespmem:s12+$0x0];
	[tilespmem:s14+$0x0] =	vst v6;
	v63 =	vadd.f32 v5, v0  }
0x1f6: {  	v14 =	vmul.f32 v10, v1;
	[tilespmem:s14+$0xFFFFFFF0] =	vst v2;
	v2 =	vld [tilespmem:s12+$0x10];
	v15 =	vadd.f32 v7, v0  }
0x1f7: {  	v10 =	vadd.f32 v9, v0;
	v8 =	vmul.f32 v11, v1;
	v5 =	vld [tilespmem:s12+$0x20];
	[tilespmem:s14+$0x10] =	vst v63  }
0x1f8: {  	s15 =	simm.s32 $0x80;
	s16 =	simm.s32 $0x1F040;
	v9 =	vmul.f32 v13, v1;
	v6 =	vld [tilespmem:s12+$0xFFFFFFC0];
	v7 =	vadd.f32 v14, v0;
	[tilespmem:s14+$0x20] =	vst v15  }
.LBB2_17:
0x1f9: {  	v11 =	vld [tilespmem:s16+$0x30];
	s15 =	sadd.s32 $0x80, s15;
	v8 =	vadd.f32 v8, v0;
	v4 =	vmul.f32 v4, v1;
	[tilespmem:s14+$0xFFFFFFC0] =	vst v10;
	s14 =	smov.u32 s12;
	s12 =	smov.u32 s16  }
0x1fa: {  	v10 =	vld [tilespmem:s16+$0xFFFFFFD0];
	p0 =	slt.u32 s15, $0x780;
	v9 =	vadd.f32 v9, v0;
	v3 =	vmul.f32 v3, v1;
	[tilespmem:s14+$0x30] =	vst v7  }
0x1fb: {  	v7 =	vld [tilespmem:s16+$0xFFFFFFE0];
	[tilespmem:s14+$0xFFFFFFD0] =	vst v8;
	v8 =	vadd.f32 v4, v0;
	v2 =	vmul.f32 v2, v1  }
.Ltmp7:
0x1fc: {  	v4 =	vld [tilespmem:s16+$0xFFFFFFF0];
	[tilespmem:s14+$0xFFFFFFE0] =	vst v9;
	v9 =	vadd.f32 v3, v0;
	v5 =	vmul.f32 v5, v1;
	(pc) =	sbr.rel @p0 .LBB2_17-.Ltmp7, $4  }
0x1fd: {  	v3 =	vld [tilespmem:s16+$0x0];
	v6 =	vmul.f32 v6, v1;
	[tilespmem:s14+$0xFFFFFFF0] =	vst v8;
	v12 =	vadd.f32 v2, v0  }
0x1fe: {  	v2 =	vld [tilespmem:s16+$0x10];
	v11 =	vmul.f32 v11, v1;
	[tilespmem:s14+$0x0] =	vst v9;
	v13 =	vadd.f32 v5, v0  }
0x1ff: {  	v8 =	vmul.f32 v10, v1;
	v5 =	vld [tilespmem:s16+$0x20];
	v10 =	vadd.f32 v6, v0;
	[tilespmem:s14+$0x10] =	vst v12  }
0x200: {  	s16 =	sadd.s32 $0x80, s16;
	v6 =	vld [tilespmem:s12+$0xFFFFFFC0];
	v9 =	vmul.f32 v7, v1;
	v7 =	vadd.f32 v11, v0;
	[tilespmem:s14+$0x20] =	vst v13  }
0x201: {  	v8 =	vadd.f32 v8, v0;
	v4 =	vmul.f32 v4, v1;
	[tilespmem:s14+$0xFFFFFFC0] =	vst v10  }
0x202: {  	v9 =	vadd.f32 v9, v0;
	v3 =	vmul.f32 v3, v1;
	[tilespmem:s12+$0x30] =	vst v7  }
0x203: {  	[tilespmem:s12+$0xFFFFFFD0] =	vst v8;
	v4 =	vadd.f32 v4, v0;
	v2 =	vmul.f32 v2, v1  }
0x204: {  	[tilespmem:s12+$0xFFFFFFE0] =	vst v9;
	v3 =	vadd.f32 v3, v0;
	v5 =	vmul.f32 v5, v1  }
0x205: {  	v61 =	vmul.f32 v6, v1;
	[tilespmem:s12+$0xFFFFFFF0] =	vst v4;
	v2 =	vadd.f32 v2, v0  }
0x206: {  	s7 =	sshll.u32 s7, $0xB;
	[tilespmem:s12+$0x0] =	vst v3;
	v62 =	vadd.f32 v5, v0  }
0x207: {  	s7 =	sand.u32 $0x3800, s7;
	v63 =	vadd.f32 v61, v0;
	[tilespmem:s12+$0x10] =	vst v2  }
0x208: {  	s7 =	sor.u32 s9, s7;
	[tilespmem:s12+$0x20] =	vst v62  }
0x209: {  	p0 =	sne.s32 s11, $0x1A;
	s7 =	sadd.s32 s7, s18;
	[tilespmem:s12+$0xFFFFFFC0] =	vst v63  }
0x20a: {  	[hbm4b:s7+s25] =	stream.strided.scatter [tilespmem:s0], [sflag:$0x9], $0x800, s26, s25, $0x38;
	[tilespmem:$0x1FB00] =	vst v63  }
.Ltmp8:
0x20b: {  	_ = 	snop;
	(pc) =	sbr.rel @p0 .LBB2_2-.Ltmp8, $4  }
0x20c: {  	s15 =	smin.u32 s28, $0x63;
	_ =	swait.ge [sflag:s2], $0x800  }
0x20d: {  	s7 =	sshll.u32 s15, $0x8;
	[sflag:s2] =	ssyncset.done $0x0;
	s16 =	rddreg [dreg:$0xe]  }
0x20e: {  	s28 =	smov.u32 s11;
	[sflag:s2] =	ssyncadd.s32 $0xFFFFF800;
	s7 =	sadd.s32 s7, s16  }
0x20f: {  	[tilespmem:s29], [sflag:$0x6] =	stream.linear.gather [hbm4b:s7+s10], $0x800, $0x38;
	[tilespmem:$0x1FB00] =	vst v63  }
0x210: {  	_ =	swait.ge [sflag:s30], $0x18700  }
0x211: {  	[sflag:s30] =	ssyncset.done $0x0  }
0x212: {  	[sflag:s30] =	ssyncadd.s32 $0xFFFE7900  }
0x213: {  	_ =	swait.ge [sflag:s31], $0x2000  }
0x214: {  	[sflag:s31] =	ssyncset.done $0x0  }
0x215: {  	[sflag:s31] =	ssyncadd.s32 $0xFFFFE000  }
0x216: {  	_ =	swait.ge [sflag:s13], $0x1000  }
0x217: {  	[sflag:s13] =	ssyncset.done $0x0  }
0x218: {  	[sflag:s13] =	ssyncadd.s32 $0xFFFFF000  }
0x219: {  	_ =	swait.ge [sflag:s20], $0x1000  }
0x21a: {  	[sflag:s20] =	ssyncset.done $0x0  }
0x21b: {  	[sflag:s20] =	ssyncadd.s32 $0xFFFFF000  }
0x21c: {  	_ =	swait.ge [sflag:s23], $0x800  }
0x21d: {  	[sflag:s23] =	ssyncset.done $0x0  }
0x21e: {  	[sflag:s23] =	ssyncadd.s32 $0xFFFFF800  }
0x21f: {  	_ =	swait.ge [sflag:s5], $0x800  }
0x220: {  	s9 =	rddreg [dreg:$0x10]  }
0x221: {  	s7 =	rddreg [dreg:$0xf];
	s9 =	sadd.s32 $0x1, s9  }
0x222: {  	p0 =	sne.s32 s9, s7  }
.Ltmp9:
0x223: {  	_ = 	snop;
	(pc) =	sbr.rel @p0 .LBB2_1-.Ltmp9, $3  }
0x224: {  	_ =	sdelay $0x1  }
0x225: {  	[sflag:s5] =	ssyncset.done $0x0  }
0x226: {  	[sflag:s5] =	ssyncadd.s32 $0xFFFFF800  }
0x227: {  	_ =	sfence.sel $0x180000  }
0x228: {  	[bflag:$0x0] =	sbarrier.arrive $0xFFFF  }
0x229: {  	_ =	strace $0x90000047  }
0x22a: {  	s0 =	stileid.u32;
	[bflag:$0x2] =	sbarrier.arrive $0xFFFF  }
0x22b: {  	p0 =	sne.s32 s0, $0x0;
	s0 =	rddreg [dreg:$0x6]  }
0x22c: {  	s0 =	sadd.s32 @!p0 $0x100000, s0  }
0x22d: {  	[sflag:s0] =	ssyncadd.tile.s32 @!p0 $0x1;
	_ =	shalt  }
.Lfunc_end2:
_tile_overlayer_lowered:
.L_overlay_start_2:
0x22e: {  	(tag) =	ssettag $0x2  }
0x22f: {  	s0 =	rddreg [dreg:$0x0];
	s2 =	stileid.u32  }
0x230: {  	s1 =	rddreg [dreg:$0x1];
	p0 =	sne.s32 s2, $0x0  }
0x231: {  	s3 =	rddreg [dreg:$0x2];
	[bflag:$0x3] =	sbarrier.arrive $0xFFFF;
	s2 =	simm.s32 @!p0 $0x1C0A  }
0x232: {  	[timem:s3], [sflag:s2] =	dma.local @!p0 [hbm:s0], s1  }
0x233: {  	s0 =	simm.s32 @!p0 $0xA  }
0x234: {  	_ =	swait.ge @!p0 [sflag:s0], s1  }
0x235: {  	s1 =	ssub.s32 @!p0 $0x0, s1;
	[sflag:s0] =	ssyncset.done @!p0 $0x0  }
0x236: {  	[sflag:s0] =	ssyncadd.s32 @!p0 s1  }
0x237: {  	[bflag:$0x3] =	sbarrier.arrive $0xFFFF  }
0x238: {  	_ =	shalt  }

</sc_bundles>
